<compile_context>
chip_gen: v7x
topology: tpu7x:2x2x1
jax: 0.10.2.dev20260603
libtpu: 0.0.44.dev20260713+nightly
codegen_flags: <defaults>
</compile_context>

<pallas_src>
import functools

import jax
import jax.numpy as jnp
from jax import lax
from jax.experimental import pallas as pl
from jax.experimental.pallas import tpu as pltpu
from jax.experimental.pallas import tpu_sc as plsc

NCLS = 19
STRIDE = 32
CM_BINS = NCLS * STRIDE
LANES = 16
NW = 32
N_PIX = 8 * 512 * 512
N_PER_W = N_PIX // NW
CHUNK = 32768
UNROLL = 8
R_BLK = 128



def _bins_body(lref, mref, oref):
    x = lref[0]
    best = x[0]
    idx = jnp.zeros(best.shape, jnp.int32)
    for c in range(1, NCLS):
        v = x[c]
        upd = v > best
        best = jnp.where(upd, v, best)
        idx = jnp.where(upd, c, idx)
    oref[0] = mref[0] * STRIDE + idx


def _compute_bins(logits, mask):
    grid = (8, 512 // R_BLK)
    return pl.pallas_call(
        _bins_body,
        grid=grid,
        in_specs=[
            pl.BlockSpec((1, NCLS, R_BLK, 512), lambda b, r: (b, 0, r, 0)),
            pl.BlockSpec((1, R_BLK, 512), lambda b, r: (b, r, 0)),
        ],
        out_specs=pl.BlockSpec((1, R_BLK, 512), lambda b, r: (b, r, 0)),
        out_shape=jax.ShapeDtypeStruct((8, 512, 512), jnp.int32),
    )(logits, mask)



def _sc_hist_body(bins_hbm, out_hbm, buf0, buf1, hist, outv, sem0, sem1):
    wid = lax.axis_index("s") * 2 + lax.axis_index("c")
    lane = lax.iota(jnp.int32, LANES)
    lane_base = lane * CM_BINS
    ones = jnp.ones((LANES,), jnp.float32)
    zeros = jnp.zeros((LANES,), jnp.float32)

    def zbody(i, _):
        b = i * (LANES * UNROLL)
        for u in range(UNROLL):
            hist[pl.ds(b + u * LANES, LANES)] = zeros
        return 0
    lax.fori_loop(0, (LANES * CM_BINS) // (LANES * UNROLL), zbody, 0)

    base = wid * N_PER_W
    cp0 = pltpu.async_copy(bins_hbm.at[pl.ds(base, CHUNK)], buf0, sem0)
    cp1 = pltpu.async_copy(bins_hbm.at[pl.ds(base + CHUNK, CHUNK)], buf1, sem1)

    def process(buf):
        def inner(i, _):
            b = i * (LANES * UNROLL)
            for u in range(UNROLL):
                v = buf[pl.ds(b + u * LANES, LANES)]
                plsc.addupdate_scatter(hist, [v + lane_base], ones)
            return 0
        lax.fori_loop(0, CHUNK // (LANES * UNROLL), inner, 0)

    cp0.wait()
    process(buf0)
    cp1.wait()
    process(buf1)

    def red_body(b0, _):
        s = jnp.zeros((LANES,), jnp.float32)
        for l in range(LANES):
            s = s + hist[pl.ds(l * CM_BINS + b0 * LANES, LANES)]
        outv[pl.ds(b0 * LANES, LANES)] = s
        return 0
    lax.fori_loop(0, CM_BINS // LANES, red_body, 0)

    pltpu.sync_copy(outv, out_hbm.at[wid])


def _sc_hist(bins_flat):
    mesh = plsc.VectorSubcoreMesh(core_axis_name="c", subcore_axis_name="s")
    f = functools.partial(
        pl.kernel,
        mesh=mesh,
        out_type=jax.ShapeDtypeStruct((NW, CM_BINS), jnp.float32),
        scratch_types=[
            pltpu.VMEM((CHUNK,), jnp.int32),
            pltpu.VMEM((CHUNK,), jnp.int32),
            pltpu.VMEM((LANES * CM_BINS,), jnp.float32),
            pltpu.VMEM((CM_BINS,), jnp.float32),
            pltpu.SemaphoreType.DMA,
            pltpu.SemaphoreType.DMA,
        ],
        compiler_params=pltpu.CompilerParams(needs_layout_passes=False),
    )(_sc_hist_body)
    return f(bins_flat)



def _stats_body(href, mou, fou):
    acc = href[0]
    for w in range(1, NW):
        acc = acc + href[w]
    cm = acc
    rows = lax.broadcasted_iota(jnp.int32, (NCLS, STRIDE), 0)
    cols = lax.broadcasted_iota(jnp.int32, (NCLS, STRIDE), 1)
    eye = rows == cols
    diag = jnp.sum(jnp.where(eye, cm, 0.0), axis=1, keepdims=True)
    rowsum = jnp.sum(cm, axis=1, keepdims=True)
    onescol = jnp.ones((NCLS, 1), jnp.float32)
    colsum32 = lax.dot_general(cm, onescol, (((0,), (0,)), ((), ())))
    colsum = colsum32[0:NCLS]
    total = jnp.sum(cm)
    denom = rowsum + colsum - diag
    dpos = denom > 0
    iu = jnp.where(dpos, diag / jnp.where(dpos, denom, 1.0), 0.0)
    miou = jnp.sum(iu) / NCLS
    freq = rowsum / jnp.where(total > 0, total, 1.0)
    fwiou = jnp.sum(jnp.where(freq > 0, freq * iu, 0.0))
    mou[...] = miou.reshape(1, 1)
    fou[...] = fwiou.reshape(1, 1)


def _compute_stats(hparts):
    return pl.pallas_call(
        _stats_body,
        out_shape=[
            jax.ShapeDtypeStruct((1, 1), jnp.float32),
            jax.ShapeDtypeStruct((1, 1), jnp.float32),
        ],
    )(hparts)


def kernel(logits, mask):
    bins = _compute_bins(logits, mask)
    hist = _sc_hist(bins.reshape(N_PIX))
    miou, fwiou = _compute_stats(hist.reshape(NW, NCLS, STRIDE))
    return (miou.reshape(()), fwiou.reshape(()))

# --- scband reference (transcript-rebuilt; emitter-appended) ---
"""Pipeline reference for scband-m-io-umask-31834297598347 (READ-ONLY COPY).

The authoritative reference and input builder live on the scoring server;
editing this copy changes nothing except your own understanding.
"""

import jax, jax.numpy as jnp
import numpy as np

NUM_CLASS = 19  # num_classes=19, ignore_class=None -> num_class stays 19


def setup_inputs(seed: int = 0) -> dict:
    key = jax.random.key(seed)
    k1, k2 = jax.random.split(key)
    logits = jax.random.normal(k1, (8, NUM_CLASS, 512, 512), dtype=jnp.float32)
    mask = jax.random.randint(k2, (8, 512, 512), 0, NUM_CLASS, dtype=jnp.int32)
    return {"logits": logits, "mask": mask}


def reference(logits, mask):
    nc = NUM_CLASS
    # forward with probs=False: softmax then argmax over class dim
    probs = jax.nn.softmax(logits, axis=1)
    pred = jnp.argmax(probs, axis=1).astype(jnp.int32)
    gt = mask.astype(jnp.int32)
    # _generate_matrix
    valid = (gt >= 0) & (gt < nc)
    label = nc * gt + pred
    label_flat = jnp.where(valid, label, 0).reshape(-1)
    weights = valid.astype(jnp.float32).reshape(-1)
    counts = jnp.bincount(label_flat, weights=weights, length=nc * nc)
    cm = counts.reshape(nc, nc)
    # Tissue_Intersection_over_Union with nan -> 0
    diag = jnp.diag(cm)
    denom = jnp.sum(cm, axis=1) + jnp.sum(cm, axis=0) - diag
    iu = jnp.where(denom > 0, diag / jnp.where(denom > 0, denom, 1.0), 0.0)
    miou = jnp.mean(iu)
    # Frequency_Weighted_Intersection_over_Union
    total = jnp.sum(cm)
    freq = jnp.sum(cm, axis=1) / jnp.where(total > 0, total, 1.0)
    fwiou = jnp.sum(jnp.where(freq > 0, freq * iu, 0.0))
    return (miou, fwiou)

if __name__ == "__main__":
    import jax
    _d = setup_inputs()
    print(jax.jit(kernel)(*tuple(_d.values())))

</pallas_src>

<mosaic_0001>
#map = affine_map<(d0, d1) -> (0)>
#map1 = affine_map<(d0, d1) -> (0, 0)>
module attributes {stable_mosaic.version = 14 : i64} {
  func.func @_sc_hist_body(%arg0: i32, %arg1: i32, %arg2: memref<2097152xi32, #tpu.memory_space<hbm>>, %arg3: memref<32x608xf32, #tpu.memory_space<hbm>>, %arg4: memref<32768xi32, #tpu.memory_space<vmem>>, %arg5: memref<32768xi32, #tpu.memory_space<vmem>>, %arg6: memref<9728xf32, #tpu.memory_space<vmem>>, %arg7: memref<608xf32, #tpu.memory_space<vmem>>, %arg8: memref<!tpu.dma_semaphore, #tpu.memory_space<semaphore_mem>>, %arg9: memref<!tpu.dma_semaphore, #tpu.memory_space<semaphore_mem>>) attributes {dimension_semantics = [#tpu.dimension_semantics<core_parallel>, #tpu.dimension_semantics<subcore_parallel>], iteration_bounds = array<i64: 2, 16>, scalar_prefetch = 0 : i64, scratch_operands = 6 : i64, tpu.core_type = #tpu.core_type<sc_vector_subcore>, window_params = [{transform_indices = #map}, {transform_indices = #map1}]} {
    %mul3A = arith.constant 2 : i32
    %mul3A_0 = arith.muli %arg1, %mul3A : i32
    %add3A = arith.addi %mul3A_0, %arg0 : i32
    %iota3A = tpu.iota {dimensions = array<i32: 0>} : vector<16xi32>
    %mul3A_1 = arith.constant 608 : i32
    %mul3A_2 = vector.broadcast %mul3A_1 : i32 to vector<16xi32>
    %mul3A_3 = arith.muli %iota3A, %mul3A_2 : vector<16xi32>
    %broadcast_in_dim3A = arith.constant 1.000000e+00 : f32
    %broadcast_in_dim3A_4 = vector.broadcast %broadcast_in_dim3A : f32 to vector<16xf32>
    %broadcast_in_dim3A_5 = arith.constant 0.000000e+00 : f32
    %broadcast_in_dim3A_6 = vector.broadcast %broadcast_in_dim3A_5 : f32 to vector<16xf32>
    %scan3A = arith.constant 0 : i32
    %scan3A_7 = arith.constant 0 : i32
    %scan3A_8 = arith.constant 76 : i32
    %scan3A_9 = arith.addi %scan3A_7, %scan3A_8 : i32
    %scan3A_10 = arith.constant 1 : i32
    %scan3A_11 = scf.for %scan3A_44 = %scan3A_7 to %scan3A_9 step %scan3A_10 iter_args(%scan3A_45 = %scan3A) -> (i32)  : i32 {
      %mul3A_46 = arith.constant 128 : i32
      %mul3A_47 = arith.muli %scan3A_44, %mul3A_46 : i32
      %add3A_48 = arith.constant 0 : i32
      %add3A_49 = arith.addi %mul3A_47, %add3A_48 : i32
      %swap3A = arith.index_cast %add3A_49 : i32 to index
      %swap3A_50 = tpu.vector_load %arg6[%swap3A] {strides = array<i32>} : memref<9728xf32, #tpu.memory_space<vmem>>, vector<16xf32>,
      tpu.vector_store %arg6[%swap3A], %broadcast_in_dim3A_6 {strides = array<i32>} : memref<9728xf32, #tpu.memory_space<vmem>>, vector<16xf32>,
      %add3A_51 = arith.constant 16 : i32
      %add3A_52 = arith.addi %mul3A_47, %add3A_51 : i32
      %swap3A_53 = arith.index_cast %add3A_52 : i32 to index
      %swap3A_54 = tpu.vector_load %arg6[%swap3A_53] {strides = array<i32>} : memref<9728xf32, #tpu.memory_space<vmem>>, vector<16xf32>,
      tpu.vector_store %arg6[%swap3A_53], %broadcast_in_dim3A_6 {strides = array<i32>} : memref<9728xf32, #tpu.memory_space<vmem>>, vector<16xf32>,
      %add3A_55 = arith.constant 32 : i32
      %add3A_56 = arith.addi %mul3A_47, %add3A_55 : i32
      %swap3A_57 = arith.index_cast %add3A_56 : i32 to index
      %swap3A_58 = tpu.vector_load %arg6[%swap3A_57] {strides = array<i32>} : memref<9728xf32, #tpu.memory_space<vmem>>, vector<16xf32>,
      tpu.vector_store %arg6[%swap3A_57], %broadcast_in_dim3A_6 {strides = array<i32>} : memref<9728xf32, #tpu.memory_space<vmem>>, vector<16xf32>,
      %add3A_59 = arith.constant 48 : i32
      %add3A_60 = arith.addi %mul3A_47, %add3A_59 : i32
      %swap3A_61 = arith.index_cast %add3A_60 : i32 to index
      %swap3A_62 = tpu.vector_load %arg6[%swap3A_61] {strides = array<i32>} : memref<9728xf32, #tpu.memory_space<vmem>>, vector<16xf32>,
      tpu.vector_store %arg6[%swap3A_61], %broadcast_in_dim3A_6 {strides = array<i32>} : memref<9728xf32, #tpu.memory_space<vmem>>, vector<16xf32>,
      %add3A_63 = arith.constant 64 : i32
      %add3A_64 = arith.addi %mul3A_47, %add3A_63 : i32
      %swap3A_65 = arith.index_cast %add3A_64 : i32 to index
      %swap3A_66 = tpu.vector_load %arg6[%swap3A_65] {strides = array<i32>} : memref<9728xf32, #tpu.memory_space<vmem>>, vector<16xf32>,
      tpu.vector_store %arg6[%swap3A_65], %broadcast_in_dim3A_6 {strides = array<i32>} : memref<9728xf32, #tpu.memory_space<vmem>>, vector<16xf32>,
      %add3A_67 = arith.constant 80 : i32
      %add3A_68 = arith.addi %mul3A_47, %add3A_67 : i32
      %swap3A_69 = arith.index_cast %add3A_68 : i32 to index
      %swap3A_70 = tpu.vector_load %arg6[%swap3A_69] {strides = array<i32>} : memref<9728xf32, #tpu.memory_space<vmem>>, vector<16xf32>,
      tpu.vector_store %arg6[%swap3A_69], %broadcast_in_dim3A_6 {strides = array<i32>} : memref<9728xf32, #tpu.memory_space<vmem>>, vector<16xf32>,
      %add3A_71 = arith.constant 96 : i32
      %add3A_72 = arith.addi %mul3A_47, %add3A_71 : i32
      %swap3A_73 = arith.index_cast %add3A_72 : i32 to index
      %swap3A_74 = tpu.vector_load %arg6[%swap3A_73] {strides = array<i32>} : memref<9728xf32, #tpu.memory_space<vmem>>, vector<16xf32>,
      tpu.vector_store %arg6[%swap3A_73], %broadcast_in_dim3A_6 {strides = array<i32>} : memref<9728xf32, #tpu.memory_space<vmem>>, vector<16xf32>,
      %add3A_75 = arith.constant 112 : i32
      %add3A_76 = arith.addi %mul3A_47, %add3A_75 : i32
      %swap3A_77 = arith.index_cast %add3A_76 : i32 to index
      %swap3A_78 = tpu.vector_load %arg6[%swap3A_77] {strides = array<i32>} : memref<9728xf32, #tpu.memory_space<vmem>>, vector<16xf32>,
      tpu.vector_store %arg6[%swap3A_77], %broadcast_in_dim3A_6 {strides = array<i32>} : memref<9728xf32, #tpu.memory_space<vmem>>, vector<16xf32>,
      %scan3A_79 = arith.constant 0 : i32
      scf.yield %scan3A_79 : i32
    }
    %scan3A_12 = arith.constant 76 : i32
    %mul3A_13 = arith.constant 65536 : i32
    %mul3A_14 = arith.muli %add3A, %mul3A_13 : i32
    %dma_start3A = tpu.memref_slice %arg2[%mul3A_14] : memref<2097152xi32, #tpu.memory_space<hbm>> -> memref<32768xi32, #tpu.memory_space<hbm>>
    %dma_start3A_15 = tpu.memref_slice %arg2[%mul3A_14] : memref<2097152xi32, #tpu.memory_space<hbm>> -> memref<32768xi32, #tpu.memory_space<hbm>>
    tpu.enqueue_dma source(%dma_start3A_15 : memref<32768xi32, #tpu.memory_space<hbm>>) target(%arg4 : memref<32768xi32, #tpu.memory_space<vmem>>) target_semaphore(%arg8 : memref<!tpu.dma_semaphore, #tpu.memory_space<semaphore_mem>>)
    %add3A_16 = arith.constant 32768 : i32
    %add3A_17 = arith.addi %mul3A_14, %add3A_16 : i32
    %dma_start3A_18 = tpu.memref_slice %arg2[%add3A_17] : memref<2097152xi32, #tpu.memory_space<hbm>> -> memref<32768xi32, #tpu.memory_space<hbm>>
    %dma_start3A_19 = tpu.memref_slice %arg2[%add3A_17] : memref<2097152xi32, #tpu.memory_space<hbm>> -> memref<32768xi32, #tpu.memory_space<hbm>>
    tpu.enqueue_dma source(%dma_start3A_19 : memref<32768xi32, #tpu.memory_space<hbm>>) target(%arg5 : memref<32768xi32, #tpu.memory_space<vmem>>) target_semaphore(%arg9 : memref<!tpu.dma_semaphore, #tpu.memory_space<semaphore_mem>>)
    %dma_wait3A = tpu.memref_slice %arg2[%mul3A_14] : memref<2097152xi32, #tpu.memory_space<hbm>> -> memref<32768xi32, #tpu.memory_space<hbm>>
    %dma_wait3A_20 = tpu.memref_slice %arg2[%mul3A_14] : memref<2097152xi32, #tpu.memory_space<hbm>> -> memref<32768xi32, #tpu.memory_space<hbm>>
    tpu.wait_dma2 semaphore(%arg8 : memref<!tpu.dma_semaphore, #tpu.memory_space<semaphore_mem>>) src(%dma_wait3A_20 : memref<32768xi32, #tpu.memory_space<hbm>>) dst(%arg4 : memref<32768xi32, #tpu.memory_space<vmem>>)
    %scan3A_21 = arith.constant 0 : i32
    %scan3A_22 = arith.constant 0 : i32
    %scan3A_23 = arith.constant 256 : i32
    %scan3A_24 = arith.addi %scan3A_22, %scan3A_23 : i32
    %scan3A_25 = arith.constant 1 : i32
    %scan3A_26 = scf.for %scan3A_44 = %scan3A_22 to %scan3A_24 step %scan3A_25 iter_args(%scan3A_45 = %scan3A_21) -> (i32)  : i32 {
      %mul3A_46 = arith.constant 128 : i32
      %mul3A_47 = arith.muli %scan3A_44, %mul3A_46 : i32
      %add3A_48 = arith.constant 0 : i32
      %add3A_49 = arith.addi %mul3A_47, %add3A_48 : i32
      %get3A = arith.index_cast %add3A_49 : i32 to index
      %get3A_50 = tpu.vector_load %arg4[%get3A] {strides = array<i32>} : memref<32768xi32, #tpu.memory_space<vmem>>, vector<16xi32>,
      %add3A_51 = arith.addi %get3A_50, %mul3A_3 : vector<16xi32>
      tpu.vector_store_idx %arg6[%add3A_51], %broadcast_in_dim3A_4 {add = true} : memref<9728xf32, #tpu.memory_space<vmem>>[vector<16xi32>], vector<16xf32>,
      %add3A_52 = arith.constant 16 : i32
      %add3A_53 = arith.addi %mul3A_47, %add3A_52 : i32
      %get3A_54 = arith.index_cast %add3A_53 : i32 to index
      %get3A_55 = tpu.vector_load %arg4[%get3A_54] {strides = array<i32>} : memref<32768xi32, #tpu.memory_space<vmem>>, vector<16xi32>,
      %add3A_56 = arith.addi %get3A_55, %mul3A_3 : vector<16xi32>
      tpu.vector_store_idx %arg6[%add3A_56], %broadcast_in_dim3A_4 {add = true} : memref<9728xf32, #tpu.memory_space<vmem>>[vector<16xi32>], vector<16xf32>,
      %add3A_57 = arith.constant 32 : i32
      %add3A_58 = arith.addi %mul3A_47, %add3A_57 : i32
      %get3A_59 = arith.index_cast %add3A_58 : i32 to index
      %get3A_60 = tpu.vector_load %arg4[%get3A_59] {strides = array<i32>} : memref<32768xi32, #tpu.memory_space<vmem>>, vector<16xi32>,
      %add3A_61 = arith.addi %get3A_60, %mul3A_3 : vector<16xi32>
      tpu.vector_store_idx %arg6[%add3A_61], %broadcast_in_dim3A_4 {add = true} : memref<9728xf32, #tpu.memory_space<vmem>>[vector<16xi32>], vector<16xf32>,
      %add3A_62 = arith.constant 48 : i32
      %add3A_63 = arith.addi %mul3A_47, %add3A_62 : i32
      %get3A_64 = arith.index_cast %add3A_63 : i32 to index
      %get3A_65 = tpu.vector_load %arg4[%get3A_64] {strides = array<i32>} : memref<32768xi32, #tpu.memory_space<vmem>>, vector<16xi32>,
      %add3A_66 = arith.addi %get3A_65, %mul3A_3 : vector<16xi32>
      tpu.vector_store_idx %arg6[%add3A_66], %broadcast_in_dim3A_4 {add = true} : memref<9728xf32, #tpu.memory_space<vmem>>[vector<16xi32>], vector<16xf32>,
      %add3A_67 = arith.constant 64 : i32
      %add3A_68 = arith.addi %mul3A_47, %add3A_67 : i32
      %get3A_69 = arith.index_cast %add3A_68 : i32 to index
      %get3A_70 = tpu.vector_load %arg4[%get3A_69] {strides = array<i32>} : memref<32768xi32, #tpu.memory_space<vmem>>, vector<16xi32>,
      %add3A_71 = arith.addi %get3A_70, %mul3A_3 : vector<16xi32>
      tpu.vector_store_idx %arg6[%add3A_71], %broadcast_in_dim3A_4 {add = true} : memref<9728xf32, #tpu.memory_space<vmem>>[vector<16xi32>], vector<16xf32>,
      %add3A_72 = arith.constant 80 : i32
      %add3A_73 = arith.addi %mul3A_47, %add3A_72 : i32
      %get3A_74 = arith.index_cast %add3A_73 : i32 to index
      %get3A_75 = tpu.vector_load %arg4[%get3A_74] {strides = array<i32>} : memref<32768xi32, #tpu.memory_space<vmem>>, vector<16xi32>,
      %add3A_76 = arith.addi %get3A_75, %mul3A_3 : vector<16xi32>
      tpu.vector_store_idx %arg6[%add3A_76], %broadcast_in_dim3A_4 {add = true} : memref<9728xf32, #tpu.memory_space<vmem>>[vector<16xi32>], vector<16xf32>,
      %add3A_77 = arith.constant 96 : i32
      %add3A_78 = arith.addi %mul3A_47, %add3A_77 : i32
      %get3A_79 = arith.index_cast %add3A_78 : i32 to index
      %get3A_80 = tpu.vector_load %arg4[%get3A_79] {strides = array<i32>} : memref<32768xi32, #tpu.memory_space<vmem>>, vector<16xi32>,
      %add3A_81 = arith.addi %get3A_80, %mul3A_3 : vector<16xi32>
      tpu.vector_store_idx %arg6[%add3A_81], %broadcast_in_dim3A_4 {add = true} : memref<9728xf32, #tpu.memory_space<vmem>>[vector<16xi32>], vector<16xf32>,
      %add3A_82 = arith.constant 112 : i32
      %add3A_83 = arith.addi %mul3A_47, %add3A_82 : i32
      %get3A_84 = arith.index_cast %add3A_83 : i32 to index
      %get3A_85 = tpu.vector_load %arg4[%get3A_84] {strides = array<i32>} : memref<32768xi32, #tpu.memory_space<vmem>>, vector<16xi32>,
      %add3A_86 = arith.addi %get3A_85, %mul3A_3 : vector<16xi32>
      tpu.vector_store_idx %arg6[%add3A_86], %broadcast_in_dim3A_4 {add = true} : memref<9728xf32, #tpu.memory_space<vmem>>[vector<16xi32>], vector<16xf32>,
      %scan3A_87 = arith.constant 0 : i32
      scf.yield %scan3A_87 : i32
    }
    %scan3A_27 = arith.constant 256 : i32
    %dma_wait3A_28 = tpu.memref_slice %arg2[%add3A_17] : memref<2097152xi32, #tpu.memory_space<hbm>> -> memref<32768xi32, #tpu.memory_space<hbm>>
    %dma_wait3A_29 = tpu.memref_slice %arg2[%add3A_17] : memref<2097152xi32, #tpu.memory_space<hbm>> -> memref<32768xi32, #tpu.memory_space<hbm>>
    tpu.wait_dma2 semaphore(%arg9 : memref<!tpu.dma_semaphore, #tpu.memory_space<semaphore_mem>>) src(%dma_wait3A_29 : memref<32768xi32, #tpu.memory_space<hbm>>) dst(%arg5 : memref<32768xi32, #tpu.memory_space<vmem>>)
    %scan3A_30 = arith.constant 0 : i32
    %scan3A_31 = arith.constant 0 : i32
    %scan3A_32 = arith.constant 256 : i32
    %scan3A_33 = arith.addi %scan3A_31, %scan3A_32 : i32
    %scan3A_34 = arith.constant 1 : i32
    %scan3A_35 = scf.for %scan3A_44 = %scan3A_31 to %scan3A_33 step %scan3A_34 iter_args(%scan3A_45 = %scan3A_30) -> (i32)  : i32 {
      %mul3A_46 = arith.constant 128 : i32
      %mul3A_47 = arith.muli %scan3A_44, %mul3A_46 : i32
      %add3A_48 = arith.constant 0 : i32
      %add3A_49 = arith.addi %mul3A_47, %add3A_48 : i32
      %get3A = arith.index_cast %add3A_49 : i32 to index
      %get3A_50 = tpu.vector_load %arg5[%get3A] {strides = array<i32>} : memref<32768xi32, #tpu.memory_space<vmem>>, vector<16xi32>,
      %add3A_51 = arith.addi %get3A_50, %mul3A_3 : vector<16xi32>
      tpu.vector_store_idx %arg6[%add3A_51], %broadcast_in_dim3A_4 {add = true} : memref<9728xf32, #tpu.memory_space<vmem>>[vector<16xi32>], vector<16xf32>,
      %add3A_52 = arith.constant 16 : i32
      %add3A_53 = arith.addi %mul3A_47, %add3A_52 : i32
      %get3A_54 = arith.index_cast %add3A_53 : i32 to index
      %get3A_55 = tpu.vector_load %arg5[%get3A_54] {strides = array<i32>} : memref<32768xi32, #tpu.memory_space<vmem>>, vector<16xi32>,
      %add3A_56 = arith.addi %get3A_55, %mul3A_3 : vector<16xi32>
      tpu.vector_store_idx %arg6[%add3A_56], %broadcast_in_dim3A_4 {add = true} : memref<9728xf32, #tpu.memory_space<vmem>>[vector<16xi32>], vector<16xf32>,
      %add3A_57 = arith.constant 32 : i32
      %add3A_58 = arith.addi %mul3A_47, %add3A_57 : i32
      %get3A_59 = arith.index_cast %add3A_58 : i32 to index
      %get3A_60 = tpu.vector_load %arg5[%get3A_59] {strides = array<i32>} : memref<32768xi32, #tpu.memory_space<vmem>>, vector<16xi32>,
      %add3A_61 = arith.addi %get3A_60, %mul3A_3 : vector<16xi32>
      tpu.vector_store_idx %arg6[%add3A_61], %broadcast_in_dim3A_4 {add = true} : memref<9728xf32, #tpu.memory_space<vmem>>[vector<16xi32>], vector<16xf32>,
      %add3A_62 = arith.constant 48 : i32
      %add3A_63 = arith.addi %mul3A_47, %add3A_62 : i32
      %get3A_64 = arith.index_cast %add3A_63 : i32 to index
      %get3A_65 = tpu.vector_load %arg5[%get3A_64] {strides = array<i32>} : memref<32768xi32, #tpu.memory_space<vmem>>, vector<16xi32>,
      %add3A_66 = arith.addi %get3A_65, %mul3A_3 : vector<16xi32>
      tpu.vector_store_idx %arg6[%add3A_66], %broadcast_in_dim3A_4 {add = true} : memref<9728xf32, #tpu.memory_space<vmem>>[vector<16xi32>], vector<16xf32>,
      %add3A_67 = arith.constant 64 : i32
      %add3A_68 = arith.addi %mul3A_47, %add3A_67 : i32
      %get3A_69 = arith.index_cast %add3A_68 : i32 to index
      %get3A_70 = tpu.vector_load %arg5[%get3A_69] {strides = array<i32>} : memref<32768xi32, #tpu.memory_space<vmem>>, vector<16xi32>,
      %add3A_71 = arith.addi %get3A_70, %mul3A_3 : vector<16xi32>
      tpu.vector_store_idx %arg6[%add3A_71], %broadcast_in_dim3A_4 {add = true} : memref<9728xf32, #tpu.memory_space<vmem>>[vector<16xi32>], vector<16xf32>,
      %add3A_72 = arith.constant 80 : i32
      %add3A_73 = arith.addi %mul3A_47, %add3A_72 : i32
      %get3A_74 = arith.index_cast %add3A_73 : i32 to index
      %get3A_75 = tpu.vector_load %arg5[%get3A_74] {strides = array<i32>} : memref<32768xi32, #tpu.memory_space<vmem>>, vector<16xi32>,
      %add3A_76 = arith.addi %get3A_75, %mul3A_3 : vector<16xi32>
      tpu.vector_store_idx %arg6[%add3A_76], %broadcast_in_dim3A_4 {add = true} : memref<9728xf32, #tpu.memory_space<vmem>>[vector<16xi32>], vector<16xf32>,
      %add3A_77 = arith.constant 96 : i32
      %add3A_78 = arith.addi %mul3A_47, %add3A_77 : i32
      %get3A_79 = arith.index_cast %add3A_78 : i32 to index
      %get3A_80 = tpu.vector_load %arg5[%get3A_79] {strides = array<i32>} : memref<32768xi32, #tpu.memory_space<vmem>>, vector<16xi32>,
      %add3A_81 = arith.addi %get3A_80, %mul3A_3 : vector<16xi32>
      tpu.vector_store_idx %arg6[%add3A_81], %broadcast_in_dim3A_4 {add = true} : memref<9728xf32, #tpu.memory_space<vmem>>[vector<16xi32>], vector<16xf32>,
      %add3A_82 = arith.constant 112 : i32
      %add3A_83 = arith.addi %mul3A_47, %add3A_82 : i32
      %get3A_84 = arith.index_cast %add3A_83 : i32 to index
      %get3A_85 = tpu.vector_load %arg5[%get3A_84] {strides = array<i32>} : memref<32768xi32, #tpu.memory_space<vmem>>, vector<16xi32>,
      %add3A_86 = arith.addi %get3A_85, %mul3A_3 : vector<16xi32>
      tpu.vector_store_idx %arg6[%add3A_86], %broadcast_in_dim3A_4 {add = true} : memref<9728xf32, #tpu.memory_space<vmem>>[vector<16xi32>], vector<16xf32>,
      %scan3A_87 = arith.constant 0 : i32
      scf.yield %scan3A_87 : i32
    }
    %scan3A_36 = arith.constant 256 : i32
    %scan3A_37 = arith.constant 0 : i32
    %scan3A_38 = arith.constant 0 : i32
    %scan3A_39 = arith.constant 38 : i32
    %scan3A_40 = arith.addi %scan3A_38, %scan3A_39 : i32
    %scan3A_41 = arith.constant 1 : i32
    %scan3A_42 = scf.for %scan3A_44 = %scan3A_38 to %scan3A_40 step %scan3A_41 iter_args(%scan3A_45 = %scan3A_37) -> (i32)  : i32 {
      %broadcast_in_dim3A_46 = arith.constant 0.000000e+00 : f32
      %broadcast_in_dim3A_47 = vector.broadcast %broadcast_in_dim3A_46 : f32 to vector<16xf32>
      %mul3A_48 = arith.constant 16 : i32
      %mul3A_49 = arith.muli %scan3A_44, %mul3A_48 : i32
      %add3A_50 = arith.constant 0 : i32
      %add3A_51 = arith.addi %add3A_50, %mul3A_49 : i32
      %get3A = arith.index_cast %add3A_51 : i32 to index
      %get3A_52 = tpu.vector_load %arg6[%get3A] {strides = array<i32>} : memref<9728xf32, #tpu.memory_space<vmem>>, vector<16xf32>,
      %add3A_53 = arith.addf %broadcast_in_dim3A_47, %get3A_52 : vector<16xf32>
      %mul3A_54 = arith.constant 16 : i32
      %mul3A_55 = arith.muli %scan3A_44, %mul3A_54 : i32
      %add3A_56 = arith.constant 608 : i32
      %add3A_57 = arith.addi %add3A_56, %mul3A_55 : i32
      %get3A_58 = arith.index_cast %add3A_57 : i32 to index
      %get3A_59 = tpu.vector_load %arg6[%get3A_58] {strides = array<i32>} : memref<9728xf32, #tpu.memory_space<vmem>>, vector<16xf32>,
      %add3A_60 = arith.addf %add3A_53, %get3A_59 : vector<16xf32>
      %mul3A_61 = arith.constant 16 : i32
      %mul3A_62 = arith.muli %scan3A_44, %mul3A_61 : i32
      %add3A_63 = arith.constant 1216 : i32
      %add3A_64 = arith.addi %add3A_63, %mul3A_62 : i32
      %get3A_65 = arith.index_cast %add3A_64 : i32 to index
      %get3A_66 = tpu.vector_load %arg6[%get3A_65] {strides = array<i32>} : memref<9728xf32, #tpu.memory_space<vmem>>, vector<16xf32>,
      %add3A_67 = arith.addf %add3A_60, %get3A_66 : vector<16xf32>
      %mul3A_68 = arith.constant 16 : i32
      %mul3A_69 = arith.muli %scan3A_44, %mul3A_68 : i32
      %add3A_70 = arith.constant 1824 : i32
      %add3A_71 = arith.addi %add3A_70, %mul3A_69 : i32
      %get3A_72 = arith.index_cast %add3A_71 : i32 to index
      %get3A_73 = tpu.vector_load %arg6[%get3A_72] {strides = array<i32>} : memref<9728xf32, #tpu.memory_space<vmem>>, vector<16xf32>,
      %add3A_74 = arith.addf %add3A_67, %get3A_73 : vector<16xf32>
      %mul3A_75 = arith.constant 16 : i32
      %mul3A_76 = arith.muli %scan3A_44, %mul3A_75 : i32
      %add3A_77 = arith.constant 2432 : i32
      %add3A_78 = arith.addi %add3A_77, %mul3A_76 : i32
      %get3A_79 = arith.index_cast %add3A_78 : i32 to index
      %get3A_80 = tpu.vector_load %arg6[%get3A_79] {strides = array<i32>} : memref<9728xf32, #tpu.memory_space<vmem>>, vector<16xf32>,
      %add3A_81 = arith.addf %add3A_74, %get3A_80 : vector<16xf32>
      %mul3A_82 = arith.constant 16 : i32
      %mul3A_83 = arith.muli %scan3A_44, %mul3A_82 : i32
      %add3A_84 = arith.constant 3040 : i32
      %add3A_85 = arith.addi %add3A_84, %mul3A_83 : i32
      %get3A_86 = arith.index_cast %add3A_85 : i32 to index
      %get3A_87 = tpu.vector_load %arg6[%get3A_86] {strides = array<i32>} : memref<9728xf32, #tpu.memory_space<vmem>>, vector<16xf32>,
      %add3A_88 = arith.addf %add3A_81, %get3A_87 : vector<16xf32>
      %mul3A_89 = arith.constant 16 : i32
      %mul3A_90 = arith.muli %scan3A_44, %mul3A_89 : i32
      %add3A_91 = arith.constant 3648 : i32
      %add3A_92 = arith.addi %add3A_91, %mul3A_90 : i32
      %get3A_93 = arith.index_cast %add3A_92 : i32 to index
      %get3A_94 = tpu.vector_load %arg6[%get3A_93] {strides = array<i32>} : memref<9728xf32, #tpu.memory_space<vmem>>, vector<16xf32>,
      %add3A_95 = arith.addf %add3A_88, %get3A_94 : vector<16xf32>
      %mul3A_96 = arith.constant 16 : i32
      %mul3A_97 = arith.muli %scan3A_44, %mul3A_96 : i32
      %add3A_98 = arith.constant 4256 : i32
      %add3A_99 = arith.addi %add3A_98, %mul3A_97 : i32
      %get3A_100 = arith.index_cast %add3A_99 : i32 to index
      %get3A_101 = tpu.vector_load %arg6[%get3A_100] {strides = array<i32>} : memref<9728xf32, #tpu.memory_space<vmem>>, vector<16xf32>,
      %add3A_102 = arith.addf %add3A_95, %get3A_101 : vector<16xf32>
      %mul3A_103 = arith.constant 16 : i32
      %mul3A_104 = arith.muli %scan3A_44, %mul3A_103 : i32
      %add3A_105 = arith.constant 4864 : i32
      %add3A_106 = arith.addi %add3A_105, %mul3A_104 : i32
      %get3A_107 = arith.index_cast %add3A_106 : i32 to index
      %get3A_108 = tpu.vector_load %arg6[%get3A_107] {strides = array<i32>} : memref<9728xf32, #tpu.memory_space<vmem>>, vector<16xf32>,
      %add3A_109 = arith.addf %add3A_102, %get3A_108 : vector<16xf32>
      %mul3A_110 = arith.constant 16 : i32
      %mul3A_111 = arith.muli %scan3A_44, %mul3A_110 : i32
      %add3A_112 = arith.constant 5472 : i32
      %add3A_113 = arith.addi %add3A_112, %mul3A_111 : i32
      %get3A_114 = arith.index_cast %add3A_113 : i32 to index
      %get3A_115 = tpu.vector_load %arg6[%get3A_114] {strides = array<i32>} : memref<9728xf32, #tpu.memory_space<vmem>>, vector<16xf32>,
      %add3A_116 = arith.addf %add3A_109, %get3A_115 : vector<16xf32>
      %mul3A_117 = arith.constant 16 : i32
      %mul3A_118 = arith.muli %scan3A_44, %mul3A_117 : i32
      %add3A_119 = arith.constant 6080 : i32
      %add3A_120 = arith.addi %add3A_119, %mul3A_118 : i32
      %get3A_121 = arith.index_cast %add3A_120 : i32 to index
      %get3A_122 = tpu.vector_load %arg6[%get3A_121] {strides = array<i32>} : memref<9728xf32, #tpu.memory_space<vmem>>, vector<16xf32>,
      %add3A_123 = arith.addf %add3A_116, %get3A_122 : vector<16xf32>
      %mul3A_124 = arith.constant 16 : i32
      %mul3A_125 = arith.muli %scan3A_44, %mul3A_124 : i32
      %add3A_126 = arith.constant 6688 : i32
      %add3A_127 = arith.addi %add3A_126, %mul3A_125 : i32
      %get3A_128 = arith.index_cast %add3A_127 : i32 to index
      %get3A_129 = tpu.vector_load %arg6[%get3A_128] {strides = array<i32>} : memref<9728xf32, #tpu.memory_space<vmem>>, vector<16xf32>,
      %add3A_130 = arith.addf %add3A_123, %get3A_129 : vector<16xf32>
      %mul3A_131 = arith.constant 16 : i32
      %mul3A_132 = arith.muli %scan3A_44, %mul3A_131 : i32
      %add3A_133 = arith.constant 7296 : i32
      %add3A_134 = arith.addi %add3A_133, %mul3A_132 : i32
      %get3A_135 = arith.index_cast %add3A_134 : i32 to index
      %get3A_136 = tpu.vector_load %arg6[%get3A_135] {strides = array<i32>} : memref<9728xf32, #tpu.memory_space<vmem>>, vector<16xf32>,
      %add3A_137 = arith.addf %add3A_130, %get3A_136 : vector<16xf32>
      %mul3A_138 = arith.constant 16 : i32
      %mul3A_139 = arith.muli %scan3A_44, %mul3A_138 : i32
      %add3A_140 = arith.constant 7904 : i32
      %add3A_141 = arith.addi %add3A_140, %mul3A_139 : i32
      %get3A_142 = arith.index_cast %add3A_141 : i32 to index
      %get3A_143 = tpu.vector_load %arg6[%get3A_142] {strides = array<i32>} : memref<9728xf32, #tpu.memory_space<vmem>>, vector<16xf32>,
      %add3A_144 = arith.addf %add3A_137, %get3A_143 : vector<16xf32>
      %mul3A_145 = arith.constant 16 : i32
      %mul3A_146 = arith.muli %scan3A_44, %mul3A_145 : i32
      %add3A_147 = arith.constant 8512 : i32
      %add3A_148 = arith.addi %add3A_147, %mul3A_146 : i32
      %get3A_149 = arith.index_cast %add3A_148 : i32 to index
      %get3A_150 = tpu.vector_load %arg6[%get3A_149] {strides = array<i32>} : memref<9728xf32, #tpu.memory_space<vmem>>, vector<16xf32>,
      %add3A_151 = arith.addf %add3A_144, %get3A_150 : vector<16xf32>
      %mul3A_152 = arith.constant 16 : i32
      %mul3A_153 = arith.muli %scan3A_44, %mul3A_152 : i32
      %add3A_154 = arith.constant 9120 : i32
      %add3A_155 = arith.addi %add3A_154, %mul3A_153 : i32
      %get3A_156 = arith.index_cast %add3A_155 : i32 to index
      %get3A_157 = tpu.vector_load %arg6[%get3A_156] {strides = array<i32>} : memref<9728xf32, #tpu.memory_space<vmem>>, vector<16xf32>,
      %add3A_158 = arith.addf %add3A_151, %get3A_157 : vector<16xf32>
      %mul3A_159 = arith.constant 16 : i32
      %mul3A_160 = arith.muli %scan3A_44, %mul3A_159 : i32
      %swap3A = arith.index_cast %mul3A_160 : i32 to index
      %swap3A_161 = tpu.vector_load %arg7[%swap3A] {strides = array<i32>} : memref<608xf32, #tpu.memory_space<vmem>>, vector<16xf32>,
      tpu.vector_store %arg7[%swap3A], %add3A_158 {strides = array<i32>} : memref<608xf32, #tpu.memory_space<vmem>>, vector<16xf32>,
      %scan3A_162 = arith.constant 0 : i32
      scf.yield %scan3A_162 : i32
    }
    %scan3A_43 = arith.constant 38 : i32
    "tpu.region"() ({
      %run_scoped3A = tpu.sem_alloc : memref<!tpu.dma_semaphore, #tpu.memory_space<semaphore_mem>>
      %dma_start3A_44 = arith.constant 0 : i32
      %dma_start3A_45 = tpu.memref_slice %arg3[%add3A, %dma_start3A_44] : memref<32x608xf32, #tpu.memory_space<hbm>> -> memref<1x608xf32, #tpu.memory_space<hbm>>
      %dma_start3A_46 = tpu.memref_squeeze %dma_start3A_45 : memref<1x608xf32, #tpu.memory_space<hbm>> -> memref<608xf32, #tpu.memory_space<hbm>>
      %dma_start3A_47 = arith.constant 0 : i32
      %dma_start3A_48 = tpu.memref_slice %arg3[%add3A, %dma_start3A_47] : memref<32x608xf32, #tpu.memory_space<hbm>> -> memref<1x608xf32, #tpu.memory_space<hbm>>
      %dma_start3A_49 = tpu.memref_squeeze %dma_start3A_48 : memref<1x608xf32, #tpu.memory_space<hbm>> -> memref<608xf32, #tpu.memory_space<hbm>>
      tpu.enqueue_dma source(%arg7 : memref<608xf32, #tpu.memory_space<vmem>>) target(%dma_start3A_49 : memref<608xf32, #tpu.memory_space<hbm>>) target_semaphore(%run_scoped3A : memref<!tpu.dma_semaphore, #tpu.memory_space<semaphore_mem>>)
      %dma_wait3A_50 = arith.constant 0 : i32
      %dma_wait3A_51 = tpu.memref_slice %arg3[%add3A, %dma_wait3A_50] : memref<32x608xf32, #tpu.memory_space<hbm>> -> memref<1x608xf32, #tpu.memory_space<hbm>>
      %dma_wait3A_52 = tpu.memref_squeeze %dma_wait3A_51 : memref<1x608xf32, #tpu.memory_space<hbm>> -> memref<608xf32, #tpu.memory_space<hbm>>
      %dma_wait3A_53 = arith.constant 0 : i32
      %dma_wait3A_54 = tpu.memref_slice %arg3[%add3A, %dma_wait3A_53] : memref<32x608xf32, #tpu.memory_space<hbm>> -> memref<1x608xf32, #tpu.memory_space<hbm>>
      %dma_wait3A_55 = tpu.memref_squeeze %dma_wait3A_54 : memref<1x608xf32, #tpu.memory_space<hbm>> -> memref<608xf32, #tpu.memory_space<hbm>>
      tpu.wait_dma2 semaphore(%run_scoped3A : memref<!tpu.dma_semaphore, #tpu.memory_space<semaphore_mem>>) src(%arg7 : memref<608xf32, #tpu.memory_space<vmem>>) dst(%dma_wait3A_55 : memref<608xf32, #tpu.memory_space<hbm>>)
      tpu.yield
    }) : () -> ()
    return
  }
}

module attributes {stable_mosaic.version = 14 : i64} {
  func.func @_stats_body(%arg0: memref<32x19x32xf32, #tpu.memory_space<vmem>>, %arg1: memref<1x1xf32, #tpu.memory_space<vmem>>, %arg2: memref<1x1xf32, #tpu.memory_space<vmem>>) attributes {dimension_semantics = [], scalar_prefetch = 0 : i64, scratch_operands = 0 : i64, tpu.core_type = #tpu.core_type<tc>} {
    %get3A = arith.constant 0 : index
    %get3A_0 = arith.constant 0 : index
    %get3A_1 = arith.constant 0 : index
    %get3A_2 = vector.load %arg0[%get3A, %get3A_0, %get3A_1] : memref<32x19x32xf32, #tpu.memory_space<vmem>>, vector<1x19x32xf32>
    %get3A_3 = vector.shape_cast %get3A_2 : vector<1x19x32xf32> to vector<19x32xf32>
    %get3A_4 = arith.constant 1 : index
    %get3A_5 = arith.constant 0 : index
    %get3A_6 = arith.constant 0 : index
    %get3A_7 = vector.load %arg0[%get3A_4, %get3A_5, %get3A_6] : memref<32x19x32xf32, #tpu.memory_space<vmem>>, vector<1x19x32xf32>
    %get3A_8 = vector.shape_cast %get3A_7 : vector<1x19x32xf32> to vector<19x32xf32>
    %add3A = arith.addf %get3A_3, %get3A_8 : vector<19x32xf32>
    %get3A_9 = arith.constant 2 : index
    %get3A_10 = arith.constant 0 : index
    %get3A_11 = arith.constant 0 : index
    %get3A_12 = vector.load %arg0[%get3A_9, %get3A_10, %get3A_11] : memref<32x19x32xf32, #tpu.memory_space<vmem>>, vector<1x19x32xf32>
    %get3A_13 = vector.shape_cast %get3A_12 : vector<1x19x32xf32> to vector<19x32xf32>
    %add3A_14 = arith.addf %add3A, %get3A_13 : vector<19x32xf32>
    %get3A_15 = arith.constant 3 : index
    %get3A_16 = arith.constant 0 : index
    %get3A_17 = arith.constant 0 : index
    %get3A_18 = vector.load %arg0[%get3A_15, %get3A_16, %get3A_17] : memref<32x19x32xf32, #tpu.memory_space<vmem>>, vector<1x19x32xf32>
    %get3A_19 = vector.shape_cast %get3A_18 : vector<1x19x32xf32> to vector<19x32xf32>
    %add3A_20 = arith.addf %add3A_14, %get3A_19 : vector<19x32xf32>
    %get3A_21 = arith.constant 4 : index
    %get3A_22 = arith.constant 0 : index
    %get3A_23 = arith.constant 0 : index
    %get3A_24 = vector.load %arg0[%get3A_21, %get3A_22, %get3A_23] : memref<32x19x32xf32, #tpu.memory_space<vmem>>, vector<1x19x32xf32>
    %get3A_25 = vector.shape_cast %get3A_24 : vector<1x19x32xf32> to vector<19x32xf32>
    %add3A_26 = arith.addf %add3A_20, %get3A_25 : vector<19x32xf32>
    %get3A_27 = arith.constant 5 : index
    %get3A_28 = arith.constant 0 : index
    %get3A_29 = arith.constant 0 : index
    %get3A_30 = vector.load %arg0[%get3A_27, %get3A_28, %get3A_29] : memref<32x19x32xf32, #tpu.memory_space<vmem>>, vector<1x19x32xf32>
    %get3A_31 = vector.shape_cast %get3A_30 : vector<1x19x32xf32> to vector<19x32xf32>
    %add3A_32 = arith.addf %add3A_26, %get3A_31 : vector<19x32xf32>
    %get3A_33 = arith.constant 6 : index
    %get3A_34 = arith.constant 0 : index
    %get3A_35 = arith.constant 0 : index
    %get3A_36 = vector.load %arg0[%get3A_33, %get3A_34, %get3A_35] : memref<32x19x32xf32, #tpu.memory_space<vmem>>, vector<1x19x32xf32>
    %get3A_37 = vector.shape_cast %get3A_36 : vector<1x19x32xf32> to vector<19x32xf32>
    %add3A_38 = arith.addf %add3A_32, %get3A_37 : vector<19x32xf32>
    %get3A_39 = arith.constant 7 : index
    %get3A_40 = arith.constant 0 : index
    %get3A_41 = arith.constant 0 : index
    %get3A_42 = vector.load %arg0[%get3A_39, %get3A_40, %get3A_41] : memref<32x19x32xf32, #tpu.memory_space<vmem>>, vector<1x19x32xf32>
    %get3A_43 = vector.shape_cast %get3A_42 : vector<1x19x32xf32> to vector<19x32xf32>
    %add3A_44 = arith.addf %add3A_38, %get3A_43 : vector<19x32xf32>
    %get3A_45 = arith.constant 8 : index
    %get3A_46 = arith.constant 0 : index
    %get3A_47 = arith.constant 0 : index
    %get3A_48 = vector.load %arg0[%get3A_45, %get3A_46, %get3A_47] : memref<32x19x32xf32, #tpu.memory_space<vmem>>, vector<1x19x32xf32>
    %get3A_49 = vector.shape_cast %get3A_48 : vector<1x19x32xf32> to vector<19x32xf32>
    %add3A_50 = arith.addf %add3A_44, %get3A_49 : vector<19x32xf32>
    %get3A_51 = arith.constant 9 : index
    %get3A_52 = arith.constant 0 : index
    %get3A_53 = arith.constant 0 : index
    %get3A_54 = vector.load %arg0[%get3A_51, %get3A_52, %get3A_53] : memref<32x19x32xf32, #tpu.memory_space<vmem>>, vector<1x19x32xf32>
    %get3A_55 = vector.shape_cast %get3A_54 : vector<1x19x32xf32> to vector<19x32xf32>
    %add3A_56 = arith.addf %add3A_50, %get3A_55 : vector<19x32xf32>
    %get3A_57 = arith.constant 10 : index
    %get3A_58 = arith.constant 0 : index
    %get3A_59 = arith.constant 0 : index
    %get3A_60 = vector.load %arg0[%get3A_57, %get3A_58, %get3A_59] : memref<32x19x32xf32, #tpu.memory_space<vmem>>, vector<1x19x32xf32>
    %get3A_61 = vector.shape_cast %get3A_60 : vector<1x19x32xf32> to vector<19x32xf32>
    %add3A_62 = arith.addf %add3A_56, %get3A_61 : vector<19x32xf32>
    %get3A_63 = arith.constant 11 : index
    %get3A_64 = arith.constant 0 : index
    %get3A_65 = arith.constant 0 : index
    %get3A_66 = vector.load %arg0[%get3A_63, %get3A_64, %get3A_65] : memref<32x19x32xf32, #tpu.memory_space<vmem>>, vector<1x19x32xf32>
    %get3A_67 = vector.shape_cast %get3A_66 : vector<1x19x32xf32> to vector<19x32xf32>
    %add3A_68 = arith.addf %add3A_62, %get3A_67 : vector<19x32xf32>
    %get3A_69 = arith.constant 12 : index
    %get3A_70 = arith.constant 0 : index
    %get3A_71 = arith.constant 0 : index
    %get3A_72 = vector.load %arg0[%get3A_69, %get3A_70, %get3A_71] : memref<32x19x32xf32, #tpu.memory_space<vmem>>, vector<1x19x32xf32>
    %get3A_73 = vector.shape_cast %get3A_72 : vector<1x19x32xf32> to vector<19x32xf32>
    %add3A_74 = arith.addf %add3A_68, %get3A_73 : vector<19x32xf32>
    %get3A_75 = arith.constant 13 : index
    %get3A_76 = arith.constant 0 : index
    %get3A_77 = arith.constant 0 : index
    %get3A_78 = vector.load %arg0[%get3A_75, %get3A_76, %get3A_77] : memref<32x19x32xf32, #tpu.memory_space<vmem>>, vector<1x19x32xf32>
    %get3A_79 = vector.shape_cast %get3A_78 : vector<1x19x32xf32> to vector<19x32xf32>
    %add3A_80 = arith.addf %add3A_74, %get3A_79 : vector<19x32xf32>
    %get3A_81 = arith.constant 14 : index
    %get3A_82 = arith.constant 0 : index
    %get3A_83 = arith.constant 0 : index
    %get3A_84 = vector.load %arg0[%get3A_81, %get3A_82, %get3A_83] : memref<32x19x32xf32, #tpu.memory_space<vmem>>, vector<1x19x32xf32>
    %get3A_85 = vector.shape_cast %get3A_84 : vector<1x19x32xf32> to vector<19x32xf32>
    %add3A_86 = arith.addf %add3A_80, %get3A_85 : vector<19x32xf32>
    %get3A_87 = arith.constant 15 : index
    %get3A_88 = arith.constant 0 : index
    %get3A_89 = arith.constant 0 : index
    %get3A_90 = vector.load %arg0[%get3A_87, %get3A_88, %get3A_89] : memref<32x19x32xf32, #tpu.memory_space<vmem>>, vector<1x19x32xf32>
    %get3A_91 = vector.shape_cast %get3A_90 : vector<1x19x32xf32> to vector<19x32xf32>
    %add3A_92 = arith.addf %add3A_86, %get3A_91 : vector<19x32xf32>
    %get3A_93 = arith.constant 16 : index
    %get3A_94 = arith.constant 0 : index
    %get3A_95 = arith.constant 0 : index
    %get3A_96 = vector.load %arg0[%get3A_93, %get3A_94, %get3A_95] : memref<32x19x32xf32, #tpu.memory_space<vmem>>, vector<1x19x32xf32>
    %get3A_97 = vector.shape_cast %get3A_96 : vector<1x19x32xf32> to vector<19x32xf32>
    %add3A_98 = arith.addf %add3A_92, %get3A_97 : vector<19x32xf32>
    %get3A_99 = arith.constant 17 : index
    %get3A_100 = arith.constant 0 : index
    %get3A_101 = arith.constant 0 : index
    %get3A_102 = vector.load %arg0[%get3A_99, %get3A_100, %get3A_101] : memref<32x19x32xf32, #tpu.memory_space<vmem>>, vector<1x19x32xf32>
    %get3A_103 = vector.shape_cast %get3A_102 : vector<1x19x32xf32> to vector<19x32xf32>
    %add3A_104 = arith.addf %add3A_98, %get3A_103 : vector<19x32xf32>
    %get3A_105 = arith.constant 18 : index
    %get3A_106 = arith.constant 0 : index
    %get3A_107 = arith.constant 0 : index
    %get3A_108 = vector.load %arg0[%get3A_105, %get3A_106, %get3A_107] : memref<32x19x32xf32, #tpu.memory_space<vmem>>, vector<1x19x32xf32>
    %get3A_109 = vector.shape_cast %get3A_108 : vector<1x19x32xf32> to vector<19x32xf32>
    %add3A_110 = arith.addf %add3A_104, %get3A_109 : vector<19x32xf32>
    %get3A_111 = arith.constant 19 : index
    %get3A_112 = arith.constant 0 : index
    %get3A_113 = arith.constant 0 : index
    %get3A_114 = vector.load %arg0[%get3A_111, %get3A_112, %get3A_113] : memref<32x19x32xf32, #tpu.memory_space<vmem>>, vector<1x19x32xf32>
    %get3A_115 = vector.shape_cast %get3A_114 : vector<1x19x32xf32> to vector<19x32xf32>
    %add3A_116 = arith.addf %add3A_110, %get3A_115 : vector<19x32xf32>
    %get3A_117 = arith.constant 20 : index
    %get3A_118 = arith.constant 0 : index
    %get3A_119 = arith.constant 0 : index
    %get3A_120 = vector.load %arg0[%get3A_117, %get3A_118, %get3A_119] : memref<32x19x32xf32, #tpu.memory_space<vmem>>, vector<1x19x32xf32>
    %get3A_121 = vector.shape_cast %get3A_120 : vector<1x19x32xf32> to vector<19x32xf32>
    %add3A_122 = arith.addf %add3A_116, %get3A_121 : vector<19x32xf32>
    %get3A_123 = arith.constant 21 : index
    %get3A_124 = arith.constant 0 : index
    %get3A_125 = arith.constant 0 : index
    %get3A_126 = vector.load %arg0[%get3A_123, %get3A_124, %get3A_125] : memref<32x19x32xf32, #tpu.memory_space<vmem>>, vector<1x19x32xf32>
    %get3A_127 = vector.shape_cast %get3A_126 : vector<1x19x32xf32> to vector<19x32xf32>
    %add3A_128 = arith.addf %add3A_122, %get3A_127 : vector<19x32xf32>
    %get3A_129 = arith.constant 22 : index
    %get3A_130 = arith.constant 0 : index
    %get3A_131 = arith.constant 0 : index
    %get3A_132 = vector.load %arg0[%get3A_129, %get3A_130, %get3A_131] : memref<32x19x32xf32, #tpu.memory_space<vmem>>, vector<1x19x32xf32>
    %get3A_133 = vector.shape_cast %get3A_132 : vector<1x19x32xf32> to vector<19x32xf32>
    %add3A_134 = arith.addf %add3A_128, %get3A_133 : vector<19x32xf32>
    %get3A_135 = arith.constant 23 : index
    %get3A_136 = arith.constant 0 : index
    %get3A_137 = arith.constant 0 : index
    %get3A_138 = vector.load %arg0[%get3A_135, %get3A_136, %get3A_137] : memref<32x19x32xf32, #tpu.memory_space<vmem>>, vector<1x19x32xf32>
    %get3A_139 = vector.shape_cast %get3A_138 : vector<1x19x32xf32> to vector<19x32xf32>
    %add3A_140 = arith.addf %add3A_134, %get3A_139 : vector<19x32xf32>
    %get3A_141 = arith.constant 24 : index
    %get3A_142 = arith.constant 0 : index
    %get3A_143 = arith.constant 0 : index
    %get3A_144 = vector.load %arg0[%get3A_141, %get3A_142, %get3A_143] : memref<32x19x32xf32, #tpu.memory_space<vmem>>, vector<1x19x32xf32>
    %get3A_145 = vector.shape_cast %get3A_144 : vector<1x19x32xf32> to vector<19x32xf32>
    %add3A_146 = arith.addf %add3A_140, %get3A_145 : vector<19x32xf32>
    %get3A_147 = arith.constant 25 : index
    %get3A_148 = arith.constant 0 : index
    %get3A_149 = arith.constant 0 : index
    %get3A_150 = vector.load %arg0[%get3A_147, %get3A_148, %get3A_149] : memref<32x19x32xf32, #tpu.memory_space<vmem>>, vector<1x19x32xf32>
    %get3A_151 = vector.shape_cast %get3A_150 : vector<1x19x32xf32> to vector<19x32xf32>
    %add3A_152 = arith.addf %add3A_146, %get3A_151 : vector<19x32xf32>
    %get3A_153 = arith.constant 26 : index
    %get3A_154 = arith.constant 0 : index
    %get3A_155 = arith.constant 0 : index
    %get3A_156 = vector.load %arg0[%get3A_153, %get3A_154, %get3A_155] : memref<32x19x32xf32, #tpu.memory_space<vmem>>, vector<1x19x32xf32>
    %get3A_157 = vector.shape_cast %get3A_156 : vector<1x19x32xf32> to vector<19x32xf32>
    %add3A_158 = arith.addf %add3A_152, %get3A_157 : vector<19x32xf32>
    %get3A_159 = arith.constant 27 : index
    %get3A_160 = arith.constant 0 : index
    %get3A_161 = arith.constant 0 : index
    %get3A_162 = vector.load %arg0[%get3A_159, %get3A_160, %get3A_161] : memref<32x19x32xf32, #tpu.memory_space<vmem>>, vector<1x19x32xf32>
    %get3A_163 = vector.shape_cast %get3A_162 : vector<1x19x32xf32> to vector<19x32xf32>
    %add3A_164 = arith.addf %add3A_158, %get3A_163 : vector<19x32xf32>
    %get3A_165 = arith.constant 28 : index
    %get3A_166 = arith.constant 0 : index
    %get3A_167 = arith.constant 0 : index
    %get3A_168 = vector.load %arg0[%get3A_165, %get3A_166, %get3A_167] : memref<32x19x32xf32, #tpu.memory_space<vmem>>, vector<1x19x32xf32>
    %get3A_169 = vector.shape_cast %get3A_168 : vector<1x19x32xf32> to vector<19x32xf32>
    %add3A_170 = arith.addf %add3A_164, %get3A_169 : vector<19x32xf32>
    %get3A_171 = arith.constant 29 : index
    %get3A_172 = arith.constant 0 : index
    %get3A_173 = arith.constant 0 : index
    %get3A_174 = vector.load %arg0[%get3A_171, %get3A_172, %get3A_173] : memref<32x19x32xf32, #tpu.memory_space<vmem>>, vector<1x19x32xf32>
    %get3A_175 = vector.shape_cast %get3A_174 : vector<1x19x32xf32> to vector<19x32xf32>
    %add3A_176 = arith.addf %add3A_170, %get3A_175 : vector<19x32xf32>
    %get3A_177 = arith.constant 30 : index
    %get3A_178 = arith.constant 0 : index
    %get3A_179 = arith.constant 0 : index
    %get3A_180 = vector.load %arg0[%get3A_177, %get3A_178, %get3A_179] : memref<32x19x32xf32, #tpu.memory_space<vmem>>, vector<1x19x32xf32>
    %get3A_181 = vector.shape_cast %get3A_180 : vector<1x19x32xf32> to vector<19x32xf32>
    %add3A_182 = arith.addf %add3A_176, %get3A_181 : vector<19x32xf32>
    %get3A_183 = arith.constant 31 : index
    %get3A_184 = arith.constant 0 : index
    %get3A_185 = arith.constant 0 : index
    %get3A_186 = vector.load %arg0[%get3A_183, %get3A_184, %get3A_185] : memref<32x19x32xf32, #tpu.memory_space<vmem>>, vector<1x19x32xf32>
    %get3A_187 = vector.shape_cast %get3A_186 : vector<1x19x32xf32> to vector<19x32xf32>
    %add3A_188 = arith.addf %add3A_182, %get3A_187 : vector<19x32xf32>
    %iota3A = tpu.iota {dimensions = array<i32: 0>} : vector<19x32xi32>
    %iota3A_189 = tpu.iota {dimensions = array<i32: 1>} : vector<19x32xi32>
    %eq3A = arith.cmpi eq, %iota3A, %iota3A_189 : vector<19x32xi32>
    %jit3A = arith.constant 0.000000e+00 : f32
    %broadcast_in_dim3A = vector.broadcast %jit3A : f32 to vector<19x32xf32>
    %select_n3A = arith.select %eq3A, %add3A_188, %broadcast_in_dim3A : vector<19x32xi1>, vector<19x32xf32>
    %reduce_sum3A = arith.constant dense<0.000000e+00> : vector<19xf32>
    %reduce_sum3A_190 = vector.multi_reduction <add>, %select_n3A, %reduce_sum3A [1] : vector<19x32xf32> to vector<19xf32>
    %broadcast_in_dim3A_191 = vector.shape_cast %reduce_sum3A_190 : vector<19xf32> to vector<19x1xf32>
    %reduce_sum3A_192 = arith.constant dense<0.000000e+00> : vector<19xf32>
    %reduce_sum3A_193 = vector.multi_reduction <add>, %add3A_188, %reduce_sum3A_192 [1] : vector<19x32xf32> to vector<19xf32>
    %broadcast_in_dim3A_194 = vector.shape_cast %reduce_sum3A_193 : vector<19xf32> to vector<19x1xf32>
    %broadcast_in_dim3A_195 = arith.constant 1.000000e+00 : f32
    %broadcast_in_dim3A_196 = vector.broadcast %broadcast_in_dim3A_195 : f32 to vector<19x1xf32>
    %dot_general3A = arith.constant dense<0.000000e+00> : vector<32x1xf32>
    %dot_general3A_197 = tpu.matmul %add3A_188, %broadcast_in_dim3A_196, %dot_general3A {dimension_numbers = #tpu.dot_dimension_numbers<[0], [0], [1], [1], [0, 1, 1, 1], [], []>, transpose_lhs_hint = false} : vector<19x32xf32>, vector<19x1xf32>, vector<32x1xf32> -> vector<32x1xf32>
    %slice3A = vector.extract_strided_slice %dot_general3A_197 {offsets = [0, 0], sizes = [19, 1], strides = [1, 1]} : vector<32x1xf32> to vector<19x1xf32>
    %reduce_sum3A_198 = vector.shape_cast %add3A_188 : vector<19x32xf32> to vector<1x19x32xf32>
    %reduce_sum3A_199 = arith.constant dense<0.000000e+00> : vector<1xf32>
    %reduce_sum3A_200 = vector.multi_reduction <add>, %reduce_sum3A_198, %reduce_sum3A_199 [1, 2] : vector<1x19x32xf32> to vector<1xf32>
    %reduce_sum3A_201 = vector.shape_cast %reduce_sum3A_200 : vector<1xf32> to vector<1x1x1xf32>
    %reduce_sum3A_202 = vector.extract %reduce_sum3A_201[0, 0, 0] : f32 from vector<1x1x1xf32>
    %add3A_203 = arith.addf %broadcast_in_dim3A_194, %slice3A : vector<19x1xf32>
    %sub3A = arith.subf %add3A_203, %broadcast_in_dim3A_191 : vector<19x1xf32>
    %gt3A = arith.constant 0.000000e+00 : f32
    %gt3A_204 = vector.broadcast %gt3A : f32 to vector<19x1xf32>
    %gt3A_205 = arith.cmpf ogt, %sub3A, %gt3A_204 : vector<19x1xf32>
    %jit3A_206 = arith.constant 1.000000e+00 : f32
    %broadcast_in_dim3A_207 = vector.broadcast %jit3A_206 : f32 to vector<19x1xf32>
    %select_n3A_208 = arith.select %gt3A_205, %sub3A, %broadcast_in_dim3A_207 : vector<19x1xi1>, vector<19x1xf32>
    %div3A = arith.divf %broadcast_in_dim3A_191, %select_n3A_208 : vector<19x1xf32>
    %jit3A_209 = arith.constant 0.000000e+00 : f32
    %broadcast_in_dim3A_210 = vector.broadcast %jit3A_209 : f32 to vector<19x1xf32>
    %select_n3A_211 = arith.select %gt3A_205, %div3A, %broadcast_in_dim3A_210 : vector<19x1xi1>, vector<19x1xf32>
    %reduce_sum3A_212 = vector.shape_cast %select_n3A_211 : vector<19x1xf32> to vector<1x19x1xf32>
    %reduce_sum3A_213 = arith.constant dense<0.000000e+00> : vector<1xf32>
    %reduce_sum3A_214 = vector.multi_reduction <add>, %reduce_sum3A_212, %reduce_sum3A_213 [1, 2] : vector<1x19x1xf32> to vector<1xf32>
    %reduce_sum3A_215 = vector.shape_cast %reduce_sum3A_214 : vector<1xf32> to vector<1x1x1xf32>
    %reduce_sum3A_216 = vector.extract %reduce_sum3A_215[0, 0, 0] : f32 from vector<1x1x1xf32>
    %div3A_217 = arith.constant 1.900000e+01 : f32
    %div3A_218 = arith.divf %reduce_sum3A_216, %div3A_217 : f32
    %gt3A_219 = arith.constant 0.000000e+00 : f32
    %gt3A_220 = arith.cmpf ogt, %reduce_sum3A_202, %gt3A_219 : f32
    %jit3A_221 = arith.constant 1.000000e+00 : f32
    %select_n3A_222 = arith.select %gt3A_220, %reduce_sum3A_202, %jit3A_221 : f32
    %div3A_223 = vector.broadcast %select_n3A_222 : f32 to vector<19x1xf32>
    %div3A_224 = arith.divf %broadcast_in_dim3A_194, %div3A_223 : vector<19x1xf32>
    %gt3A_225 = arith.constant 0.000000e+00 : f32
    %gt3A_226 = vector.broadcast %gt3A_225 : f32 to vector<19x1xf32>
    %gt3A_227 = arith.cmpf ogt, %div3A_224, %gt3A_226 : vector<19x1xf32>
    %mul3A = arith.mulf %div3A_224, %select_n3A_211 : vector<19x1xf32>
    %jit3A_228 = arith.constant 0.000000e+00 : f32
    %broadcast_in_dim3A_229 = vector.broadcast %jit3A_228 : f32 to vector<19x1xf32>
    %select_n3A_230 = arith.select %gt3A_227, %mul3A, %broadcast_in_dim3A_229 : vector<19x1xi1>, vector<19x1xf32>
    %reduce_sum3A_231 = vector.shape_cast %select_n3A_230 : vector<19x1xf32> to vector<1x19x1xf32>
    %reduce_sum3A_232 = arith.constant dense<0.000000e+00> : vector<1xf32>
    %reduce_sum3A_233 = vector.multi_reduction <add>, %reduce_sum3A_231, %reduce_sum3A_232 [1, 2] : vector<1x19x1xf32> to vector<1xf32>
    %reduce_sum3A_234 = vector.shape_cast %reduce_sum3A_233 : vector<1xf32> to vector<1x1x1xf32>
    %reduce_sum3A_235 = vector.extract %reduce_sum3A_234[0, 0, 0] : f32 from vector<1x1x1xf32>
    %reshape3A = vector.broadcast %div3A_218 : f32 to vector<1x1xf32>
    %swap3A = arith.constant 0 : index
    %swap3A_236 = arith.constant 0 : index
    %swap3A_237 = vector.load %arg1[%swap3A, %swap3A_236] : memref<1x1xf32, #tpu.memory_space<vmem>>, vector<1x1xf32>
    tpu.vector_store %arg1[%swap3A, %swap3A_236], %reshape3A {strides = array<i32>} : memref<1x1xf32, #tpu.memory_space<vmem>>, vector<1x1xf32>,
    %reshape3A_238 = vector.broadcast %reduce_sum3A_235 : f32 to vector<1x1xf32>
    %swap3A_239 = arith.constant 0 : index
    %swap3A_240 = arith.constant 0 : index
    %swap3A_241 = vector.load %arg2[%swap3A_239, %swap3A_240] : memref<1x1xf32, #tpu.memory_space<vmem>>, vector<1x1xf32>
    tpu.vector_store %arg2[%swap3A_239, %swap3A_240], %reshape3A_238 {strides = array<i32>} : memref<1x1xf32, #tpu.memory_space<vmem>>, vector<1x1xf32>,
    return
  }
}

module attributes {stable_mosaic.version = 14 : i64} {
  func.func @_bins_body(%arg0: i32, %arg1: i32, %arg2: memref<1x19x128x512xf32, #tpu.memory_space<vmem>>, %arg3: memref<1x128x512xi32, #tpu.memory_space<vmem>>, %arg4: memref<1x128x512xi32, #tpu.memory_space<vmem>>) attributes {dimension_semantics = [#tpu.dimension_semantics<arbitrary>, #tpu.dimension_semantics<arbitrary>], iteration_bounds = array<i64: 8, 4>, scalar_prefetch = 0 : i64, scratch_operands = 0 : i64, tpu.core_type = #tpu.core_type<tc>, window_params = [{transform_indices = @transform_0, window_bounds = array<i64: 1, 19, 128, 512>}, {transform_indices = @transform_1, window_bounds = array<i64: 1, 128, 512>}, {transform_indices = @transform_2, window_bounds = array<i64: 1, 128, 512>}]} {
    %get3A = arith.constant 0 : index
    %get3A_0 = arith.constant 0 : index
    %get3A_1 = arith.constant 0 : index
    %get3A_2 = arith.constant 0 : index
    %get3A_3 = vector.load %arg2[%get3A, %get3A_0, %get3A_1, %get3A_2] : memref<1x19x128x512xf32, #tpu.memory_space<vmem>>, vector<1x19x128x512xf32>
    %get3A_4 = vector.shape_cast %get3A_3 : vector<1x19x128x512xf32> to vector<19x128x512xf32>
    %slice3A = vector.extract_strided_slice %get3A_4 {offsets = [0, 0, 0], sizes = [1, 128, 512], strides = [1, 1, 1]} : vector<19x128x512xf32> to vector<1x128x512xf32>
    %squeeze3A = vector.shape_cast %slice3A : vector<1x128x512xf32> to vector<128x512xf32>
    %broadcast_in_dim3A = arith.constant 0 : i32
    %broadcast_in_dim3A_5 = vector.broadcast %broadcast_in_dim3A : i32 to vector<128x512xi32>
    %slice3A_6 = vector.extract_strided_slice %get3A_4 {offsets = [1, 0, 0], sizes = [1, 128, 512], strides = [1, 1, 1]} : vector<19x128x512xf32> to vector<1x128x512xf32>
    %squeeze3A_7 = vector.shape_cast %slice3A_6 : vector<1x128x512xf32> to vector<128x512xf32>
    %gt3A = arith.cmpf ogt, %squeeze3A_7, %squeeze3A : vector<128x512xf32>
    %select_n3A = arith.select %gt3A, %squeeze3A_7, %squeeze3A : vector<128x512xi1>, vector<128x512xf32>
    %jit3A = arith.constant 1 : i32
    %broadcast_in_dim3A_8 = vector.broadcast %jit3A : i32 to vector<128x512xi32>
    %select_n3A_9 = arith.select %gt3A, %broadcast_in_dim3A_8, %broadcast_in_dim3A_5 : vector<128x512xi1>, vector<128x512xi32>
    %slice3A_10 = vector.extract_strided_slice %get3A_4 {offsets = [2, 0, 0], sizes = [1, 128, 512], strides = [1, 1, 1]} : vector<19x128x512xf32> to vector<1x128x512xf32>
    %squeeze3A_11 = vector.shape_cast %slice3A_10 : vector<1x128x512xf32> to vector<128x512xf32>
    %gt3A_12 = arith.cmpf ogt, %squeeze3A_11, %select_n3A : vector<128x512xf32>
    %select_n3A_13 = arith.select %gt3A_12, %squeeze3A_11, %select_n3A : vector<128x512xi1>, vector<128x512xf32>
    %jit3A_14 = arith.constant 2 : i32
    %broadcast_in_dim3A_15 = vector.broadcast %jit3A_14 : i32 to vector<128x512xi32>
    %select_n3A_16 = arith.select %gt3A_12, %broadcast_in_dim3A_15, %select_n3A_9 : vector<128x512xi1>, vector<128x512xi32>
    %slice3A_17 = vector.extract_strided_slice %get3A_4 {offsets = [3, 0, 0], sizes = [1, 128, 512], strides = [1, 1, 1]} : vector<19x128x512xf32> to vector<1x128x512xf32>
    %squeeze3A_18 = vector.shape_cast %slice3A_17 : vector<1x128x512xf32> to vector<128x512xf32>
    %gt3A_19 = arith.cmpf ogt, %squeeze3A_18, %select_n3A_13 : vector<128x512xf32>
    %select_n3A_20 = arith.select %gt3A_19, %squeeze3A_18, %select_n3A_13 : vector<128x512xi1>, vector<128x512xf32>
    %jit3A_21 = arith.constant 3 : i32
    %broadcast_in_dim3A_22 = vector.broadcast %jit3A_21 : i32 to vector<128x512xi32>
    %select_n3A_23 = arith.select %gt3A_19, %broadcast_in_dim3A_22, %select_n3A_16 : vector<128x512xi1>, vector<128x512xi32>
    %slice3A_24 = vector.extract_strided_slice %get3A_4 {offsets = [4, 0, 0], sizes = [1, 128, 512], strides = [1, 1, 1]} : vector<19x128x512xf32> to vector<1x128x512xf32>
    %squeeze3A_25 = vector.shape_cast %slice3A_24 : vector<1x128x512xf32> to vector<128x512xf32>
    %gt3A_26 = arith.cmpf ogt, %squeeze3A_25, %select_n3A_20 : vector<128x512xf32>
    %select_n3A_27 = arith.select %gt3A_26, %squeeze3A_25, %select_n3A_20 : vector<128x512xi1>, vector<128x512xf32>
    %jit3A_28 = arith.constant 4 : i32
    %broadcast_in_dim3A_29 = vector.broadcast %jit3A_28 : i32 to vector<128x512xi32>
    %select_n3A_30 = arith.select %gt3A_26, %broadcast_in_dim3A_29, %select_n3A_23 : vector<128x512xi1>, vector<128x512xi32>
    %slice3A_31 = vector.extract_strided_slice %get3A_4 {offsets = [5, 0, 0], sizes = [1, 128, 512], strides = [1, 1, 1]} : vector<19x128x512xf32> to vector<1x128x512xf32>
    %squeeze3A_32 = vector.shape_cast %slice3A_31 : vector<1x128x512xf32> to vector<128x512xf32>
    %gt3A_33 = arith.cmpf ogt, %squeeze3A_32, %select_n3A_27 : vector<128x512xf32>
    %select_n3A_34 = arith.select %gt3A_33, %squeeze3A_32, %select_n3A_27 : vector<128x512xi1>, vector<128x512xf32>
    %jit3A_35 = arith.constant 5 : i32
    %broadcast_in_dim3A_36 = vector.broadcast %jit3A_35 : i32 to vector<128x512xi32>
    %select_n3A_37 = arith.select %gt3A_33, %broadcast_in_dim3A_36, %select_n3A_30 : vector<128x512xi1>, vector<128x512xi32>
    %slice3A_38 = vector.extract_strided_slice %get3A_4 {offsets = [6, 0, 0], sizes = [1, 128, 512], strides = [1, 1, 1]} : vector<19x128x512xf32> to vector<1x128x512xf32>
    %squeeze3A_39 = vector.shape_cast %slice3A_38 : vector<1x128x512xf32> to vector<128x512xf32>
    %gt3A_40 = arith.cmpf ogt, %squeeze3A_39, %select_n3A_34 : vector<128x512xf32>
    %select_n3A_41 = arith.select %gt3A_40, %squeeze3A_39, %select_n3A_34 : vector<128x512xi1>, vector<128x512xf32>
    %jit3A_42 = arith.constant 6 : i32
    %broadcast_in_dim3A_43 = vector.broadcast %jit3A_42 : i32 to vector<128x512xi32>
    %select_n3A_44 = arith.select %gt3A_40, %broadcast_in_dim3A_43, %select_n3A_37 : vector<128x512xi1>, vector<128x512xi32>
    %slice3A_45 = vector.extract_strided_slice %get3A_4 {offsets = [7, 0, 0], sizes = [1, 128, 512], strides = [1, 1, 1]} : vector<19x128x512xf32> to vector<1x128x512xf32>
    %squeeze3A_46 = vector.shape_cast %slice3A_45 : vector<1x128x512xf32> to vector<128x512xf32>
    %gt3A_47 = arith.cmpf ogt, %squeeze3A_46, %select_n3A_41 : vector<128x512xf32>
    %select_n3A_48 = arith.select %gt3A_47, %squeeze3A_46, %select_n3A_41 : vector<128x512xi1>, vector<128x512xf32>
    %jit3A_49 = arith.constant 7 : i32
    %broadcast_in_dim3A_50 = vector.broadcast %jit3A_49 : i32 to vector<128x512xi32>
    %select_n3A_51 = arith.select %gt3A_47, %broadcast_in_dim3A_50, %select_n3A_44 : vector<128x512xi1>, vector<128x512xi32>
    %slice3A_52 = vector.extract_strided_slice %get3A_4 {offsets = [8, 0, 0], sizes = [1, 128, 512], strides = [1, 1, 1]} : vector<19x128x512xf32> to vector<1x128x512xf32>
    %squeeze3A_53 = vector.shape_cast %slice3A_52 : vector<1x128x512xf32> to vector<128x512xf32>
    %gt3A_54 = arith.cmpf ogt, %squeeze3A_53, %select_n3A_48 : vector<128x512xf32>
    %select_n3A_55 = arith.select %gt3A_54, %squeeze3A_53, %select_n3A_48 : vector<128x512xi1>, vector<128x512xf32>
    %jit3A_56 = arith.constant 8 : i32
    %broadcast_in_dim3A_57 = vector.broadcast %jit3A_56 : i32 to vector<128x512xi32>
    %select_n3A_58 = arith.select %gt3A_54, %broadcast_in_dim3A_57, %select_n3A_51 : vector<128x512xi1>, vector<128x512xi32>
    %slice3A_59 = vector.extract_strided_slice %get3A_4 {offsets = [9, 0, 0], sizes = [1, 128, 512], strides = [1, 1, 1]} : vector<19x128x512xf32> to vector<1x128x512xf32>
    %squeeze3A_60 = vector.shape_cast %slice3A_59 : vector<1x128x512xf32> to vector<128x512xf32>
    %gt3A_61 = arith.cmpf ogt, %squeeze3A_60, %select_n3A_55 : vector<128x512xf32>
    %select_n3A_62 = arith.select %gt3A_61, %squeeze3A_60, %select_n3A_55 : vector<128x512xi1>, vector<128x512xf32>
    %jit3A_63 = arith.constant 9 : i32
    %broadcast_in_dim3A_64 = vector.broadcast %jit3A_63 : i32 to vector<128x512xi32>
    %select_n3A_65 = arith.select %gt3A_61, %broadcast_in_dim3A_64, %select_n3A_58 : vector<128x512xi1>, vector<128x512xi32>
    %slice3A_66 = vector.extract_strided_slice %get3A_4 {offsets = [10, 0, 0], sizes = [1, 128, 512], strides = [1, 1, 1]} : vector<19x128x512xf32> to vector<1x128x512xf32>
    %squeeze3A_67 = vector.shape_cast %slice3A_66 : vector<1x128x512xf32> to vector<128x512xf32>
    %gt3A_68 = arith.cmpf ogt, %squeeze3A_67, %select_n3A_62 : vector<128x512xf32>
    %select_n3A_69 = arith.select %gt3A_68, %squeeze3A_67, %select_n3A_62 : vector<128x512xi1>, vector<128x512xf32>
    %jit3A_70 = arith.constant 10 : i32
    %broadcast_in_dim3A_71 = vector.broadcast %jit3A_70 : i32 to vector<128x512xi32>
    %select_n3A_72 = arith.select %gt3A_68, %broadcast_in_dim3A_71, %select_n3A_65 : vector<128x512xi1>, vector<128x512xi32>
    %slice3A_73 = vector.extract_strided_slice %get3A_4 {offsets = [11, 0, 0], sizes = [1, 128, 512], strides = [1, 1, 1]} : vector<19x128x512xf32> to vector<1x128x512xf32>
    %squeeze3A_74 = vector.shape_cast %slice3A_73 : vector<1x128x512xf32> to vector<128x512xf32>
    %gt3A_75 = arith.cmpf ogt, %squeeze3A_74, %select_n3A_69 : vector<128x512xf32>
    %select_n3A_76 = arith.select %gt3A_75, %squeeze3A_74, %select_n3A_69 : vector<128x512xi1>, vector<128x512xf32>
    %jit3A_77 = arith.constant 11 : i32
    %broadcast_in_dim3A_78 = vector.broadcast %jit3A_77 : i32 to vector<128x512xi32>
    %select_n3A_79 = arith.select %gt3A_75, %broadcast_in_dim3A_78, %select_n3A_72 : vector<128x512xi1>, vector<128x512xi32>
    %slice3A_80 = vector.extract_strided_slice %get3A_4 {offsets = [12, 0, 0], sizes = [1, 128, 512], strides = [1, 1, 1]} : vector<19x128x512xf32> to vector<1x128x512xf32>
    %squeeze3A_81 = vector.shape_cast %slice3A_80 : vector<1x128x512xf32> to vector<128x512xf32>
    %gt3A_82 = arith.cmpf ogt, %squeeze3A_81, %select_n3A_76 : vector<128x512xf32>
    %select_n3A_83 = arith.select %gt3A_82, %squeeze3A_81, %select_n3A_76 : vector<128x512xi1>, vector<128x512xf32>
    %jit3A_84 = arith.constant 12 : i32
    %broadcast_in_dim3A_85 = vector.broadcast %jit3A_84 : i32 to vector<128x512xi32>
    %select_n3A_86 = arith.select %gt3A_82, %broadcast_in_dim3A_85, %select_n3A_79 : vector<128x512xi1>, vector<128x512xi32>
    %slice3A_87 = vector.extract_strided_slice %get3A_4 {offsets = [13, 0, 0], sizes = [1, 128, 512], strides = [1, 1, 1]} : vector<19x128x512xf32> to vector<1x128x512xf32>
    %squeeze3A_88 = vector.shape_cast %slice3A_87 : vector<1x128x512xf32> to vector<128x512xf32>
    %gt3A_89 = arith.cmpf ogt, %squeeze3A_88, %select_n3A_83 : vector<128x512xf32>
    %select_n3A_90 = arith.select %gt3A_89, %squeeze3A_88, %select_n3A_83 : vector<128x512xi1>, vector<128x512xf32>
    %jit3A_91 = arith.constant 13 : i32
    %broadcast_in_dim3A_92 = vector.broadcast %jit3A_91 : i32 to vector<128x512xi32>
    %select_n3A_93 = arith.select %gt3A_89, %broadcast_in_dim3A_92, %select_n3A_86 : vector<128x512xi1>, vector<128x512xi32>
    %slice3A_94 = vector.extract_strided_slice %get3A_4 {offsets = [14, 0, 0], sizes = [1, 128, 512], strides = [1, 1, 1]} : vector<19x128x512xf32> to vector<1x128x512xf32>
    %squeeze3A_95 = vector.shape_cast %slice3A_94 : vector<1x128x512xf32> to vector<128x512xf32>
    %gt3A_96 = arith.cmpf ogt, %squeeze3A_95, %select_n3A_90 : vector<128x512xf32>
    %select_n3A_97 = arith.select %gt3A_96, %squeeze3A_95, %select_n3A_90 : vector<128x512xi1>, vector<128x512xf32>
    %jit3A_98 = arith.constant 14 : i32
    %broadcast_in_dim3A_99 = vector.broadcast %jit3A_98 : i32 to vector<128x512xi32>
    %select_n3A_100 = arith.select %gt3A_96, %broadcast_in_dim3A_99, %select_n3A_93 : vector<128x512xi1>, vector<128x512xi32>
    %slice3A_101 = vector.extract_strided_slice %get3A_4 {offsets = [15, 0, 0], sizes = [1, 128, 512], strides = [1, 1, 1]} : vector<19x128x512xf32> to vector<1x128x512xf32>
    %squeeze3A_102 = vector.shape_cast %slice3A_101 : vector<1x128x512xf32> to vector<128x512xf32>
    %gt3A_103 = arith.cmpf ogt, %squeeze3A_102, %select_n3A_97 : vector<128x512xf32>
    %select_n3A_104 = arith.select %gt3A_103, %squeeze3A_102, %select_n3A_97 : vector<128x512xi1>, vector<128x512xf32>
    %jit3A_105 = arith.constant 15 : i32
    %broadcast_in_dim3A_106 = vector.broadcast %jit3A_105 : i32 to vector<128x512xi32>
    %select_n3A_107 = arith.select %gt3A_103, %broadcast_in_dim3A_106, %select_n3A_100 : vector<128x512xi1>, vector<128x512xi32>
    %slice3A_108 = vector.extract_strided_slice %get3A_4 {offsets = [16, 0, 0], sizes = [1, 128, 512], strides = [1, 1, 1]} : vector<19x128x512xf32> to vector<1x128x512xf32>
    %squeeze3A_109 = vector.shape_cast %slice3A_108 : vector<1x128x512xf32> to vector<128x512xf32>
    %gt3A_110 = arith.cmpf ogt, %squeeze3A_109, %select_n3A_104 : vector<128x512xf32>
    %select_n3A_111 = arith.select %gt3A_110, %squeeze3A_109, %select_n3A_104 : vector<128x512xi1>, vector<128x512xf32>
    %jit3A_112 = arith.constant 16 : i32
    %broadcast_in_dim3A_113 = vector.broadcast %jit3A_112 : i32 to vector<128x512xi32>
    %select_n3A_114 = arith.select %gt3A_110, %broadcast_in_dim3A_113, %select_n3A_107 : vector<128x512xi1>, vector<128x512xi32>
    %slice3A_115 = vector.extract_strided_slice %get3A_4 {offsets = [17, 0, 0], sizes = [1, 128, 512], strides = [1, 1, 1]} : vector<19x128x512xf32> to vector<1x128x512xf32>
    %squeeze3A_116 = vector.shape_cast %slice3A_115 : vector<1x128x512xf32> to vector<128x512xf32>
    %gt3A_117 = arith.cmpf ogt, %squeeze3A_116, %select_n3A_111 : vector<128x512xf32>
    %select_n3A_118 = arith.select %gt3A_117, %squeeze3A_116, %select_n3A_111 : vector<128x512xi1>, vector<128x512xf32>
    %jit3A_119 = arith.constant 17 : i32
    %broadcast_in_dim3A_120 = vector.broadcast %jit3A_119 : i32 to vector<128x512xi32>
    %select_n3A_121 = arith.select %gt3A_117, %broadcast_in_dim3A_120, %select_n3A_114 : vector<128x512xi1>, vector<128x512xi32>
    %slice3A_122 = vector.extract_strided_slice %get3A_4 {offsets = [18, 0, 0], sizes = [1, 128, 512], strides = [1, 1, 1]} : vector<19x128x512xf32> to vector<1x128x512xf32>
    %squeeze3A_123 = vector.shape_cast %slice3A_122 : vector<1x128x512xf32> to vector<128x512xf32>
    %gt3A_124 = arith.cmpf ogt, %squeeze3A_123, %select_n3A_118 : vector<128x512xf32>
    %jit3A_125 = arith.constant 18 : i32
    %broadcast_in_dim3A_126 = vector.broadcast %jit3A_125 : i32 to vector<128x512xi32>
    %select_n3A_127 = arith.select %gt3A_124, %broadcast_in_dim3A_126, %select_n3A_121 : vector<128x512xi1>, vector<128x512xi32>
    %get3A_128 = arith.constant 0 : index
    %get3A_129 = arith.constant 0 : index
    %get3A_130 = arith.constant 0 : index
    %get3A_131 = vector.load %arg3[%get3A_128, %get3A_129, %get3A_130] : memref<1x128x512xi32, #tpu.memory_space<vmem>>, vector<1x128x512xi32>
    %get3A_132 = vector.shape_cast %get3A_131 : vector<1x128x512xi32> to vector<128x512xi32>
    %mul3A = arith.constant 32 : i32
    %mul3A_133 = vector.broadcast %mul3A : i32 to vector<128x512xi32>
    %mul3A_134 = arith.muli %get3A_132, %mul3A_133 : vector<128x512xi32>
    %add3A = arith.addi %mul3A_134, %select_n3A_127 : vector<128x512xi32>
    %swap3A = arith.constant 0 : index
    %swap3A_135 = arith.constant 0 : index
    %swap3A_136 = arith.constant 0 : index
    %swap3A_137 = vector.load %arg4[%swap3A, %swap3A_135, %swap3A_136] : memref<1x128x512xi32, #tpu.memory_space<vmem>>, vector<1x128x512xi32>
    %swap3A_138 = vector.shape_cast %swap3A_137 : vector<1x128x512xi32> to vector<128x512xi32>
    %swap3A_139 = vector.shape_cast %add3A : vector<128x512xi32> to vector<1x128x512xi32>
    tpu.vector_store %arg4[%swap3A, %swap3A_135, %swap3A_136], %swap3A_139 {strides = array<i32>} : memref<1x128x512xi32, #tpu.memory_space<vmem>>, vector<1x128x512xi32>,
    return
  }
  func.func @transform_0(%arg0: i32, %arg1: i32) -> (i32, i32, i32, i32) {
    %c0_i32 = arith.constant 0 : i32
    %c0_i32_0 = arith.constant 0 : i32
    %c0_i32_1 = arith.constant 0 : i32
    return %arg0, %c0_i32, %arg1, %c0_i32_0 : i32, i32, i32, i32
  }
  func.func @transform_1(%arg0: i32, %arg1: i32) -> (i32, i32, i32) {
    %c0_i32 = arith.constant 0 : i32
    %c0_i32_0 = arith.constant 0 : i32
    return %arg0, %arg1, %c0_i32 : i32, i32, i32
  }
  func.func @transform_2(%arg0: i32, %arg1: i32) -> (i32, i32, i32) {
    %c0_i32 = arith.constant 0 : i32
    %c0_i32_0 = arith.constant 0 : i32
    return %arg0, %arg1, %c0_i32 : i32, i32, i32
  }
}

</mosaic_0001>

<sc_bundles>
// kernel: kernel.5.cloned.1.call-start
scs
__scs_entry_jumppad:
0x0: {  	(pc) =	sbr.rel $0x88, $3  }
0x1: {  	(tag) =	ssettag $0x0;
	lr =	simm.s32 $0x1  }
0x2: {  	[smem:$0x3F9F] =	sst lr;
	_ =	strace $0xD0000000  }
0x3: {  	_ = 	snop  }
0x4: {  	_ = 	snop  }
0x5: {  	_ = 	snop  }
0x6: {  	_ = 	snop  }
0x7: {  	_ = 	snop  }
__scs_overlays_trampoline_lowered:
0x8: {  	[smem:$0x3FAE] =	sst s0  }
0x9: {  	[smem:$0x3FAF] =	sst s1  }
0xa: {  	[smem:$0x3FB0] =	sst s2  }
0xb: {  	[smem:$0x3FB1] =	sst s3  }
0xc: {  	[smem:$0x3FB2] =	sst s4  }
0xd: {  	[smem:$0x3FB3] =	sst s5  }
0xe: {  	[smem:$0x3FB4] =	sst s6  }
0xf: {  	[smem:$0x3FB5] =	sst s7  }
0x10: {  	[smem:$0x3FB6] =	sst s8  }
0x11: {  	[smem:$0x3FB7] =	sst s9;
	s0 =	simm.s32 @!p0 $0x0  }
0x12: {  	s1 =	sld [smem:$0x3F9D];
	s0 =	simm.s32 @p0 $0x1  }
0x13: {  	[smem:$0x3FB8] =	sst s0;
	s0 =	simm.s32 @!p1 $0x0  }
0x14: {  	s2 =	sld [smem:$0x3F9C];
	s0 =	simm.s32 @p1 $0x1  }
0x15: {  	[smem:$0x3FB9] =	sst s0;
	s0 =	simm.s32 @!p2 $0x0  }
0x16: {  	s3 =	sld [smem:$0x3FDB];
	s0 =	simm.s32 @p2 $0x1  }
0x17: {  	s4 =	simm.s32 $0x1BF5;
	[smem:$0x3FBB] =	sst s0  }
0x18: {  	s0 =	sld [smem:$0x3F9E];
	_ =	swait.ge [sflag:s4], $0x0  }
0x19: {  	s7 =	sld [smem:$0x3F9F]  }
0x1a: {  	s8 =	sadd.s32 $0xFFFFE003, lr  }
0x1b: {  	s9 =	sadd.s32 $0xFFFFFEF7, lr;
	s5 =	simm.s32 $0xFFFFFFFF;
	p2 =	slt.u32 s8, $0xFFFFF086  }
0x1c: {  	p1 =	slt.u32 s9, $0xF7A;
	s5 =	simm.s32 @!p2 $0x0  }
0x1d: {  	s5 =	simm.s32 @p1 $0x1;
	p0 =	seq.s32 s7, s2  }
0x1e: {  	s7 =	smul.u32 @!p0 $0xF7A, s2;
	p2 =	seq.s32 @!p0 s5, $0x0  }
0x1f: {  	s9 =	smul.u32 $0xF7A, s1;
	s8 =	simm.s32 @!p0 $0x1BF5;
	p2 =	por !p2, p0  }
0x20: {  	[sflag:s8] =	ssyncset.s32 @!p0 $0xFFFFF086;
	s6 =	sadd.s32 @!p0 s3, s7;
	s7 =	simm.s32 @!p0 $0x108  }
0x21: {  	s3 =	sadd.s32 s3, s9;
	s6 =	sadd.s32 @!p0 $0x88, s6;
	s7 =	simm.s32 @p2 $0x1082  }
0x22: {  	[simem:s7], [sflag:s8] =	dma.local @!p0 [hbm:s6], $0xF7A  }
0x23: {  	s9 =	sor.u32 $0xD0000000, s2;
	s6 =	simm.s32 $0x108;
	_ =	swait.ge @!p0 [sflag:s8], $0x0  }
0x24: {  	s3 =	sadd.s32 $0x88, s3;
	s6 =	simm.s32 @!p1 $0x1082;
	[sflag:s4] =	ssyncset.s32 $0xFFFFF086  }
0x25: {  	[simem:s6], [sflag:s4] =	dma.local [hbm:s3], $0xF7A  }
0x26: {  	[smem:$0x3F9F] =	sst s1;
	(tag) =	ssettag s2;
	_ =	strace s9  }
0x27: {  	s1 =	sld [smem:$0x3FAF]  }
0x28: {  	s2 =	sld [smem:$0x3FB0]  }
0x29: {  	s4 =	sld [smem:$0x3FB2]  }
0x2a: {  	p0 =	seq.s32 s5, $0x0;
	s5 =	sld [smem:$0x3FB3]  }
0x2b: {  	s6 =	sld [smem:$0x3FB4]  }
0x2c: {  	s7 =	sld [smem:$0x3FB5]  }
0x2d: {  	s3 =	simm.s32 $0x108;
	s8 =	sld [smem:$0x3FB6]  }
0x2e: {  	s3 =	simm.s32 @!p0 $0x1082;
	s9 =	sld [smem:$0x3FB7]  }
0x2f: {  	lr =	sadd.s32 s0, s3;
	s0 =	sld [smem:$0x3FAE]  }
0x30: {  	s3 =	sld [smem:$0x3FB1]  }
0x31: {  	[smem:$0x3FBA] =	sst s10  }
0x32: {  	s10 =	sld [smem:$0x3FB8];
	_ =	sdelay $0x3  }
0x33: {  	p0 =	seq.s32 s10, $0x1;
	s10 =	sld [smem:$0x3FBA];
	_ =	sdelay $0x3  }
0x34: {  	[smem:$0x3FBA] =	sst s10  }
0x35: {  	s10 =	sld [smem:$0x3FB9];
	_ =	sdelay $0x3  }
0x36: {  	p1 =	seq.s32 s10, $0x1;
	s10 =	sld [smem:$0x3FBA];
	_ =	sdelay $0x3  }
0x37: {  	[smem:$0x3FBA] =	sst s10  }
0x38: {  	s10 =	sld [smem:$0x3FBB]  }
0x39: {  	_ = 	snop;
	(pc) =	sbr.ind lr, $3  }
0x3a: {  	_ = 	snop  }
0x3b: {  	_ = 	snop  }
0x3c: {  	p2 =	seq.s32 s10, $0x1;
	s10 =	sld [smem:$0x3FBA]  }
0x3d: {  	_ =	shalt  }
0x3e: {  	_ =	shalt  }
0x3f: {  	_ =	shalt  }
0x40: {  	_ =	shalt  }
0x41: {  	_ =	shalt  }
0x42: {  	_ =	shalt  }
0x43: {  	_ =	shalt  }
0x44: {  	_ =	shalt  }
0x45: {  	_ =	shalt  }
0x46: {  	_ =	shalt  }
0x47: {  	_ =	shalt  }
0x48: {  	_ =	shalt  }
0x49: {  	_ =	shalt  }
0x4a: {  	_ =	shalt  }
0x4b: {  	_ =	shalt  }
0x4c: {  	_ =	shalt  }
0x4d: {  	_ =	shalt  }
0x4e: {  	_ =	shalt  }
0x4f: {  	_ =	shalt  }
0x50: {  	_ =	shalt  }
0x51: {  	_ =	shalt  }
0x52: {  	_ =	shalt  }
0x53: {  	_ =	shalt  }
0x54: {  	_ =	shalt  }
0x55: {  	_ =	shalt  }
0x56: {  	_ =	shalt  }
0x57: {  	_ =	shalt  }
0x58: {  	_ =	shalt  }
0x59: {  	_ =	shalt  }
0x5a: {  	_ =	shalt  }
0x5b: {  	_ =	shalt  }
0x5c: {  	_ =	shalt  }
0x5d: {  	_ =	shalt  }
0x5e: {  	_ =	shalt  }
0x5f: {  	_ =	shalt  }
0x60: {  	_ =	shalt  }
0x61: {  	_ =	shalt  }
0x62: {  	_ =	shalt  }
0x63: {  	_ =	shalt  }
0x64: {  	_ =	shalt  }
0x65: {  	_ =	shalt  }
0x66: {  	_ =	shalt  }
0x67: {  	_ =	shalt  }
0x68: {  	_ =	shalt  }
0x69: {  	_ =	shalt  }
0x6a: {  	_ =	shalt  }
0x6b: {  	_ =	shalt  }
0x6c: {  	_ =	shalt  }
0x6d: {  	_ =	shalt  }
0x6e: {  	_ =	shalt  }
0x6f: {  	_ =	shalt  }
0x70: {  	_ =	shalt  }
0x71: {  	_ =	shalt  }
0x72: {  	_ =	shalt  }
0x73: {  	_ =	shalt  }
0x74: {  	_ =	shalt  }
0x75: {  	_ =	shalt  }
0x76: {  	_ =	shalt  }
0x77: {  	_ =	shalt  }
0x78: {  	_ =	shalt  }
0x79: {  	_ =	shalt  }
0x7a: {  	_ =	shalt  }
0x7b: {  	_ =	shalt  }
0x7c: {  	_ =	shalt  }
0x7d: {  	_ =	shalt  }
0x7e: {  	_ =	shalt  }
0x7f: {  	_ =	shalt  }
0x80: {  	_ =	shalt  }
0x81: {  	_ =	shalt  }
0x82: {  	_ =	shalt  }
0x83: {  	_ =	shalt  }
0x84: {  	_ =	shalt  }
0x85: {  	_ =	shalt  }
0x86: {  	_ =	shalt  }
0x87: {  	_ =	shalt  }
.Lfunc_end0:
.L_simem_size_0:
called_computation_lowered:
.L_overlay_start_0:
0x88: {  	s2 =	sld [smem:$0x3FD9]  }
0x89: {  	s3 =	sld [smem:$0x3FFE];
	_ =	sdelay $0x1  }
0x8a: {  	s1 =	srdreg.scid  }
0x8b: {  	s0 =	sand.u32 $0x1, s1  }
0x8c: {  	s16 =	sshll.u32 s0, $0xA;
	s2 =	sadd.s32 s3, s2  }
0x8d: {  	s2 =	sadd.s32 s2, s16  }
0x8e: {  	[smem:$0x3FC6] =	sst s2  }
0x8f: {  	_ = 	snop  }
0x90: {  	(tm) =	ssettm $0x1  }
0x91: {  	s17 =	sld [smem:$0x3FFB];
	_ =	sdelay $0x3  }
0x92: {  	_ =	strace s17  }
0x93: {  	s2 =	sld [smem:$0x3FFC];
	_ =	sdelay $0x3  }
0x94: {  	_ =	strace s2  }
0x95: {  	s2 =	sld [smem:$0x3FFD];
	_ =	sdelay $0x3  }
0x96: {  	_ =	strace s2  }
0x97: {  	_ =	strace $0x8FFFFFFF  }
0x98: {  	s18 =	sld [smem:$0x3FDB];
	_ =	sdelay $0x1  }
0x99: {  	s19 =	simm.s32 $_scs_section_size  }
0x9a: {  	s4 =	simm.s32 $_size__tile_overlayer_lowered;
	s5 =	simm.s32 $_tile_overlayer_lowered  }
0x9b: {  	s22 =	simm.s32 $0x1BFF;
	s21 =	sshll.u32 s5, $0x1;
	s2 =	sadd.s32 s19, s18  }
0x9c: {  	s6 =	simm.s32 $0x0;
	s20 =	sshll.u32 s4, $0x1;
	s4 =	sadd.s32 s21, s2  }
0x9d: {  	[timem:s6], [sflag:s22] =	dma.local [hbm:s4], s20  }
0x9e: {  	_ =	swait.ge [sflag:s22], s20  }
0x9f: {  	s3 =	ssub.s32 $0x0, s20;
	[sflag:s22] =	ssyncset.done $0x0  }
0xa0: {  	[sflag:s22] =	ssyncadd.s32 s3;
	_ =	sdelay $0x1  }
0xa1: {  	s23 =	simm.s32 $0x1B8B  }
0xa2: {  	_ =	swait.ge [sflag:s23], $0x1  }
0xa3: {  	[sflag:s23] =	ssyncset.done $0x0  }
0xa4: {  	s25 =	simm.s32 $0x1B8E;
	s24 =	sld [smem:$0x3FFE];
	[sflag:s23] =	ssyncadd.s32 $0xFFFFFFFF  }
0xa5: {  	s26 =	simm.s32 $execute0_lowered;
	[smem:$0x3FD2] =	sst s25  }
0xa6: {  	s4 =	sshll.u32 s26, $0x1;
	_ =	strace $0x80000046;
	[dreg:$0x1] =	wrdreg $0xFFFFFFFF  }
0xa7: {  	s28 =	simm.s32 $_size_execute0_lowered;
	s2 =	sadd.s32 s2, s4;
	[dreg:$0x0] =	wrdreg $0x0  }
0xa8: {  	s4 =	sshll.u32 s28, $0x1;
	[dreg:$0x2] =	wrdreg s2  }
0xa9: {  	[dreg:$0x3] =	wrdreg s4  }
0xaa: {  	[dreg:$0x4] =	wrdreg $0xC0  }
0xab: {  	_ =	task [dreg:s6], $0x5FFFF  }
0xac: {  	[dreg:$0x1] =	wrdreg $0xFFFFFFFF  }
0xad: {  	[dreg:$0x0] =	wrdreg $0x60  }
0xae: {  	[dreg:$0x2] =	wrdreg s24  }
0xaf: {  	[dreg:$0x3] =	wrdreg $0x9  }
0xb0: {  	_ =	task.clear_ibuf [dreg:s6], $0x4FFFF;
	_ =	strace $0x90000046  }
0xb1: {  	s29 =	simm.s32 $0x9;
	_ =	strace $0x80000048  }
0xb2: {  	_ =	swait.ge [sflag:s29], $0x1  }
0xb3: {  	[sflag:s29] =	ssyncadd.s32 $0xFFFFFFFF  }
0xb4: {  	_ =	strace $0x90000048  }
0xb5: {  	_ =	sfence  }
0xb6: {  	s30 =	sld [smem:$0x0];
	_ =	sdelay $0x2  }
0xb7: {  	s31 =	sshll.u32 s1, $0xD;
	s1 =	sshrl.u32 s1, $0x2  }
0xb8: {  	s3 =	sand.u32 $0x4000, s31;
	s1 =	sadd.s32 s1, s30  }
0xb9: {  	s0 =	sor.u32 s3, s0;
	s1 =	sshll.u32 s1, $0x11  }
0xba: {  	s0 =	sor.u32 s1, s0  }
0xbb: {  	s0 =	sadd.s32 $0x8F2B, s0  }
0xbc: {  	[sflag:s0] =	ssyncadd.remote.s32 $0x1  }
0xbd: {  	_ =	sfence.sel $0xFFFF  }
0xbe: {  	[dreg:$0x0] =	wrdreg $0xFFFFFFFF;
	(pc) =	sbr.abs _section_cstart, $3  }
0xbf: {  	[dreg:$0x1] =	wrdreg $0xFFFFFFFF  }
0xc0: {  	_ =	task.clear_ibuf [dreg:s6], $0x2FFFF;
	_ =	strace $0x9FFFFFFF  }
0xc1: {  	(tm) =	ssettm $0x7FFFFFFF  }
tec
execute0_lowered:
.L_overlay_start_1:
0x0: {  	(tag) =	ssettag $0x1  }
0x1: {  	s1 =	srdreg.scid  }
0x2: {  	s0 =	stileid.u32;
	s3 =	rddreg [dreg:$0x0];
	s8 =	simm.s32 $0x1  }
0x3: {  	s9 =	simm.s32 $0x10000;
	s10 =	simm.s32 $0x2;
	s11 =	simm.s32 $0x80  }
0x4: {  	s12 =	simm.s32 $0x400;
	s13 =	simm.s32 $0x12600;
	s14 =	simm.s32 $0x3  }
0x5: {  	s4 =	sand.u32 $0x1, s1;
	s2 =	sshll.u32 s0, $0x1;
	s1 =	rddreg [dreg:$0x1]  }
0x6: {  	s6 =	sshrl.u32 s0, $0x2;
	s5 =	sor.u32 s4, s2;
	s2 =	simm.s32 $0x0  }
0x7: {  	s6 =	smul.u32 $0x1400, s6;
	s4 =	ssub.s32 $0x2, s4;
	s7 =	sshll.u32 s5, $0x7  }
0x8: {  	[smem:$0x7FF] =	sst s2;
	s5 =	sshll.u32 s5, $0xD;
	s7 =	sand.u32 $0x380, s7  }
0x9: {  	s31 =	sshrl.u32 s4, $0x1;
	_ =	strace $0x80000047;
	s6 =	sor.u32 s6, s7  }
0xa: {  	s5 =	sadd.s32 s5, s3;
	s7 =	ssub.s32 s4, s31;
	s6 =	sshrl.u32 s6, $0x3  }
0xb: {  	v1 =	vlaneseq.u32;
	s4 =	sadd.s32 $0x1800, s5;
	s6 =	sadd.s32 s6, s3;
	s3 =	sadd.s32 $0x800, s5  }
0xc: {  	v0 =	vimm.f32 $0.0e+00;
	v2 =	vimm.f32 $1.000000000e+00;
	v1 =	vmul.u32 $0x260, v1;
	s5 =	sadd.s32 $0x40800, s6;
	s6 =	smax.u32 s7, $0x1;
	s7 =	simm.s32 $0x8000  }
.LBB2_1:
0xd: {  	s15 =	simm.s32 $0x0;
	s16 =	simm.s32 $0x200  }
.LBB2_2:
0xe: {  	p0 =	sne.s32 s16, $0x9600;
	[tilespmem:s15+$0x10070] =	vst v0  }
0xf: {  	[tilespmem:s15+$0x10000] =	vst v0  }
0x10: {  	[tilespmem:s15+$0x10010] =	vst v0  }
.Ltmp0:
0x11: {  	[tilespmem:s15+$0x10020] =	vst v0;
	(pc) =	sbr.rel @p0 .LBB2_2-.Ltmp0, $4  }
0x12: {  	[tilespmem:s15+$0x10030] =	vst v0  }
0x13: {  	[tilespmem:s15+$0x10040] =	vst v0  }
0x14: {  	[tilespmem:s15+$0x10050] =	vst v0  }
0x15: {  	[tilespmem:s15+$0x10060] =	vst v0;
	s15 =	sshra.s32 s16, $0x2;
	s16 =	sadd.s32 $0x200, s16  }
0x16: {  	[tilespmem:s15+$0x10070] =	vst v0  }
0x17: {  	[tilespmem:s15+$0x10000] =	vst v0  }
0x18: {  	[tilespmem:s15+$0x10010] =	vst v0  }
0x19: {  	[tilespmem:s15+$0x10020] =	vst v0  }
0x1a: {  	[tilespmem:s15+$0x10030] =	vst v0  }
0x1b: {  	[tilespmem:s15+$0x10040] =	vst v0  }
0x1c: {  	[tilespmem:s15+$0x10050] =	vst v0  }
0x1d: {  	[tilespmem:s15+$0x10060] =	vst v0;
	s15 =	simm.s32 $0x0  }
0x1e: {  	[tilespmem:s15], [sflag:$0x1] =	stream.linear.gather [hbm4b:s3+s15], $0x8000, $0x38;
	[tilespmem:$0x12880] =	vst v63  }
0x1f: {  	_ = 	snop  }
0x20: {  	[tilespmem:s7], [sflag:$0x2] =	stream.linear.gather [hbm4b:s4+s15], $0x8000, $0x38;
	[tilespmem:$0x12880] =	vst v63  }
0x21: {  	_ =	swait.ge [sflag:s8], $0x8000  }
0x22: {  	[sflag:s8] =	ssyncset.done $0x0  }
0x23: {  	[sflag:s8] =	ssyncadd.s32 $0xFFFF8000  }
.LBB2_4:
0x24: {  	s16 =	sshra.s32 s15, $0x2  }
0x25: {  	v3 =	vld [tilespmem:s16+$0x0];
	_ =	sdelay $0x4  }
0x26: {  	v3 =	vadd.s32 v1, v3;
	_ =	sdelay $0x4  }
0x27: {  	[tilespmem:v3+s9+$0x0] =	vst.idx.add.f32.msk $0xffff, v2  }
0x28: {  	v3 =	vld [tilespmem:s16+$0x10];
	_ =	sdelay $0x4  }
0x29: {  	v3 =	vadd.s32 v1, v3;
	_ =	sdelay $0x4  }
0x2a: {  	[tilespmem:v3+s9+$0x0] =	vst.idx.add.f32.msk $0xffff, v2  }
0x2b: {  	v3 =	vld [tilespmem:s16+$0x20];
	_ =	sdelay $0x4  }
0x2c: {  	v3 =	vadd.s32 v1, v3;
	_ =	sdelay $0x4  }
0x2d: {  	[tilespmem:v3+s9+$0x0] =	vst.idx.add.f32.msk $0xffff, v2  }
0x2e: {  	v3 =	vld [tilespmem:s16+$0x30];
	_ =	sdelay $0x4  }
0x2f: {  	v3 =	vadd.s32 v1, v3;
	_ =	sdelay $0x4  }
0x30: {  	[tilespmem:v3+s9+$0x0] =	vst.idx.add.f32.msk $0xffff, v2  }
0x31: {  	v3 =	vld [tilespmem:s16+$0x40];
	_ =	sdelay $0x4  }
0x32: {  	v3 =	vadd.s32 v1, v3;
	_ =	sdelay $0x4  }
0x33: {  	[tilespmem:v3+s9+$0x0] =	vst.idx.add.f32.msk $0xffff, v2  }
0x34: {  	v3 =	vld [tilespmem:s16+$0x50];
	_ =	sdelay $0x4  }
0x35: {  	v3 =	vadd.s32 v1, v3;
	_ =	sdelay $0x4  }
0x36: {  	[tilespmem:v3+s9+$0x0] =	vst.idx.add.f32.msk $0xffff, v2  }
0x37: {  	v3 =	vld [tilespmem:s16+$0x60];
	_ =	sdelay $0x4  }
0x38: {  	v3 =	vadd.s32 v1, v3;
	_ =	sdelay $0x4  }
0x39: {  	[tilespmem:v3+s9+$0x0] =	vst.idx.add.f32.msk $0xffff, v2  }
0x3a: {  	v3 =	vld [tilespmem:s16+$0x70];
	_ =	sdelay $0x4  }
0x3b: {  	p0 =	sne.s32 s15, $0x1FE00;
	v3 =	vadd.s32 v1, v3  }
.Ltmp1:
0x3c: {  	_ = 	snop;
	(pc) =	sbr.rel @p0 .LBB2_4-.Ltmp1, $2  }
0x3d: {  	_ =	sdelay $0x2  }
0x3e: {  	s15 =	sadd.s32 $0x200, s15;
	[tilespmem:v3+s9+$0x0] =	vst.idx.add.f32.msk $0xffff, v2  }
0x3f: {  	_ =	swait.ge [sflag:s10], $0x8000  }
0x40: {  	[sflag:s10] =	ssyncset.done $0x0  }
0x41: {  	s15 =	simm.s32 $0x0;
	s16 =	simm.s32 $0x0;
	[sflag:s10] =	ssyncadd.s32 $0xFFFF8000  }
.LBB2_6:
0x42: {  	s17 =	sshra.s32 s16, $0x2  }
0x43: {  	v3 =	vld [tilespmem:s17+$0x8000];
	_ =	sdelay $0x4  }
0x44: {  	v3 =	vadd.s32 v1, v3;
	_ =	sdelay $0x4  }
0x45: {  	[tilespmem:v3+s9+$0x0] =	vst.idx.add.f32.msk $0xffff, v2  }
0x46: {  	v3 =	vld [tilespmem:s17+$0x8010];
	_ =	sdelay $0x4  }
0x47: {  	v3 =	vadd.s32 v1, v3;
	_ =	sdelay $0x4  }
0x48: {  	[tilespmem:v3+s9+$0x0] =	vst.idx.add.f32.msk $0xffff, v2  }
0x49: {  	v3 =	vld [tilespmem:s17+$0x8020];
	_ =	sdelay $0x4  }
0x4a: {  	v3 =	vadd.s32 v1, v3;
	_ =	sdelay $0x4  }
0x4b: {  	[tilespmem:v3+s9+$0x0] =	vst.idx.add.f32.msk $0xffff, v2  }
0x4c: {  	v3 =	vld [tilespmem:s17+$0x8030];
	_ =	sdelay $0x4  }
0x4d: {  	v3 =	vadd.s32 v1, v3;
	_ =	sdelay $0x4  }
0x4e: {  	[tilespmem:v3+s9+$0x0] =	vst.idx.add.f32.msk $0xffff, v2  }
0x4f: {  	v3 =	vld [tilespmem:s17+$0x8040];
	_ =	sdelay $0x4  }
0x50: {  	v3 =	vadd.s32 v1, v3;
	_ =	sdelay $0x4  }
0x51: {  	[tilespmem:v3+s9+$0x0] =	vst.idx.add.f32.msk $0xffff, v2  }
0x52: {  	v3 =	vld [tilespmem:s17+$0x8050];
	_ =	sdelay $0x4  }
0x53: {  	v3 =	vadd.s32 v1, v3;
	_ =	sdelay $0x4  }
0x54: {  	[tilespmem:v3+s9+$0x0] =	vst.idx.add.f32.msk $0xffff, v2  }
0x55: {  	v3 =	vld [tilespmem:s17+$0x8060];
	_ =	sdelay $0x4  }
0x56: {  	v3 =	vadd.s32 v1, v3;
	_ =	sdelay $0x4  }
0x57: {  	[tilespmem:v3+s9+$0x0] =	vst.idx.add.f32.msk $0xffff, v2  }
0x58: {  	v3 =	vld [tilespmem:s17+$0x8070];
	_ =	sdelay $0x4  }
0x59: {  	p0 =	sne.s32 s16, $0x1FE00;
	v3 =	vadd.s32 v1, v3  }
.Ltmp2:
0x5a: {  	_ = 	snop;
	(pc) =	sbr.rel @p0 .LBB2_6-.Ltmp2, $2  }
0x5b: {  	_ =	sdelay $0x2  }
0x5c: {  	s16 =	sadd.s32 $0x200, s16;
	[tilespmem:v3+s9+$0x0] =	vst.idx.add.f32.msk $0xffff, v2  }
0x5d: {  	s16 =	simm.s32 $0x11560  }
0x5e: {  	v3 =	vld [tilespmem:s16+$0xFFFFEAA0];
	_ =	sdelay $0x1  }
0x5f: {  	v4 =	vld [tilespmem:s16+$0xFFFFED00];
	_ =	sdelay $0x1  }
0x60: {  	v5 =	vld [tilespmem:s16+$0xFFFFEF60]  }
0x61: {  	v3 =	vadd.f32 $0.0e+00, v3  }
0x62: {  	v6 =	vld [tilespmem:s16+$0xFFFFF1C0]  }
0x63: {  	s15 =	sand.u32 $0x3F0, s15;
	v3 =	vadd.f32 v4, v3  }
0x64: {  	v4 =	vld [tilespmem:s15+$0x10980]  }
0x65: {  	v3 =	vadd.f32 v5, v3  }
0x66: {  	v5 =	vld [tilespmem:s16+$0xFFFFF680]  }
0x67: {  	v3 =	vadd.f32 v6, v3  }
0x68: {  	v60 =	vld [tilespmem:s16+$0xFFFFF8E0]  }
0x69: {  	v3 =	vadd.f32 v4, v3  }
0x6a: {  	v4 =	vld [tilespmem:s16+$0xFFFFFB40]  }
0x6b: {  	v3 =	vadd.f32 v5, v3  }
0x6c: {  	v5 =	vld [tilespmem:s15+$0x11300]  }
0x6d: {  	v3 =	vadd.f32 v60, v3  }
0x6e: {  	v61 =	vld [tilespmem:s16+$0x0]  }
0x6f: {  	v3 =	vadd.f32 v4, v3  }
0x70: {  	v4 =	vld [tilespmem:s16+$0x260]  }
0x71: {  	v3 =	vadd.f32 v5, v3  }
0x72: {  	v5 =	vld [tilespmem:s16+$0x4C0]  }
0x73: {  	v3 =	vadd.f32 v61, v3  }
0x74: {  	v62 =	vld [tilespmem:s15+$0x11C80]  }
0x75: {  	v3 =	vadd.f32 v4, v3  }
0x76: {  	v4 =	vld [tilespmem:s16+$0x980]  }
0x77: {  	v3 =	vadd.f32 v5, v3  }
0x78: {  	v5 =	vld [tilespmem:s16+$0xBE0]  }
0x79: {  	v3 =	vadd.f32 v62, v3  }
0x7a: {  	v63 =	vld [tilespmem:s16+$0xE40]  }
0x7b: {  	v3 =	vadd.f32 v4, v3;
	_ =	sdelay $0x1  }
0x7c: {  	v3 =	vadd.f32 v5, v3;
	_ =	sdelay $0x1  }
0x7d: {  	v3 =	vadd.f32 v63, v3  }
0x7e: {  	s15 =	simm.s32 $0x12600  }
0x7f: {  	s16 =	simm.s32 $0x11570;
	[tilespmem:s15+$0x0] =	vst v3  }
0x80: {  	s17 =	simm.s32 $0x10;
	s18 =	simm.s32 $0x20;
	v3 =	vld [tilespmem:s16+$0xFFFFEAA0]  }
.LBB2_8:
0x81: {  	p0 =	sne.s32 s18, $0x250  }
0x82: {  	v4 =	vld [tilespmem:s16+$0xFFFFED00];
	_ =	sdelay $0x1  }
0x83: {  	v5 =	vld [tilespmem:s16+$0xFFFFEF60]  }
0x84: {  	v3 =	vadd.f32 $0.0e+00, v3  }
0x85: {  	v6 =	vld [tilespmem:s16+$0xFFFFF1C0]  }
0x86: {  	s19 =	sand.u32 $0x3F0, s17;
	s17 =	smov.u32 s18;
	v3 =	vadd.f32 v4, v3  }
0x87: {  	v4 =	vld [tilespmem:s19+$0x10980]  }
0x88: {  	v3 =	vadd.f32 v5, v3  }
0x89: {  	v5 =	vld [tilespmem:s16+$0xFFFFF680]  }
0x8a: {  	v3 =	vadd.f32 v6, v3  }
0x8b: {  	v6 =	vld [tilespmem:s16+$0xFFFFF8E0]  }
0x8c: {  	v3 =	vadd.f32 v4, v3  }
0x8d: {  	v4 =	vld [tilespmem:s16+$0xFFFFFB40]  }
0x8e: {  	v3 =	vadd.f32 v5, v3  }
0x8f: {  	v5 =	vld [tilespmem:s19+$0x11300]  }
0x90: {  	v3 =	vadd.f32 v6, v3  }
0x91: {  	v6 =	vld [tilespmem:s16+$0x0]  }
0x92: {  	v3 =	vadd.f32 v4, v3  }
0x93: {  	v4 =	vld [tilespmem:s16+$0x260]  }
0x94: {  	v3 =	vadd.f32 v5, v3  }
0x95: {  	v5 =	vld [tilespmem:s16+$0x4C0]  }
0x96: {  	v3 =	vadd.f32 v6, v3  }
0x97: {  	v6 =	vld [tilespmem:s19+$0x11C80]  }
0x98: {  	v3 =	vadd.f32 v4, v3  }
0x99: {  	v4 =	vld [tilespmem:s16+$0x980]  }
0x9a: {  	v3 =	vadd.f32 v5, v3  }
0x9b: {  	v5 =	vld [tilespmem:s16+$0xBE0]  }
0x9c: {  	v3 =	vadd.f32 v6, v3  }
0x9d: {  	v6 =	vld [tilespmem:s16+$0xE40]  }
0x9e: {  	v3 =	vadd.f32 v4, v3;
	_ =	sdelay $0x1  }
0x9f: {  	v3 =	vadd.f32 v5, v3  }
.Ltmp3:
0xa0: {  	(pc) =	sbr.rel @p0 .LBB2_8-.Ltmp3, $4  }
0xa1: {  	v3 =	vadd.f32 v6, v3  }
0xa2: {  	s15 =	sadd.s32 $0x10, s15  }
0xa3: {  	s16 =	sadd.s32 $0x10, s16;
	[tilespmem:s15+$0x0] =	vst v3  }
0xa4: {  	s18 =	sadd.s32 $0x10, s18;
	v3 =	vld [tilespmem:s16+$0xFFFFEAA0]  }
0xa5: {  	_ = 	snop  }
0xa6: {  	v4 =	vld [tilespmem:s16+$0xFFFFED00];
	_ =	sdelay $0x1  }
0xa7: {  	v5 =	vld [tilespmem:s16+$0xFFFFEF60]  }
0xa8: {  	v3 =	vadd.f32 $0.0e+00, v3  }
0xa9: {  	v6 =	vld [tilespmem:s16+$0xFFFFF1C0]  }
0xaa: {  	s17 =	sand.u32 $0x3F0, s17;
	v3 =	vadd.f32 v4, v3  }
0xab: {  	v52 =	vld [tilespmem:s17+$0x10980]  }
0xac: {  	v3 =	vadd.f32 v5, v3  }
0xad: {  	v53 =	vld [tilespmem:s16+$0xFFFFF680]  }
0xae: {  	v3 =	vadd.f32 v6, v3  }
0xaf: {  	v54 =	vld [tilespmem:s16+$0xFFFFF8E0]  }
0xb0: {  	v3 =	vadd.f32 v52, v3  }
0xb1: {  	v55 =	vld [tilespmem:s16+$0xFFFFFB40]  }
0xb2: {  	v3 =	vadd.f32 v53, v3  }
0xb3: {  	v56 =	vld [tilespmem:s17+$0x11300]  }
0xb4: {  	v3 =	vadd.f32 v54, v3  }
0xb5: {  	v57 =	vld [tilespmem:s16+$0x0]  }
0xb6: {  	v3 =	vadd.f32 v55, v3  }
0xb7: {  	v58 =	vld [tilespmem:s16+$0x260]  }
0xb8: {  	v3 =	vadd.f32 v56, v3  }
0xb9: {  	v59 =	vld [tilespmem:s16+$0x4C0]  }
0xba: {  	v3 =	vadd.f32 v57, v3  }
0xbb: {  	v60 =	vld [tilespmem:s17+$0x11C80]  }
0xbc: {  	v3 =	vadd.f32 v58, v3  }
0xbd: {  	v61 =	vld [tilespmem:s16+$0x980]  }
0xbe: {  	v3 =	vadd.f32 v59, v3  }
0xbf: {  	v62 =	vld [tilespmem:s16+$0xBE0]  }
0xc0: {  	v3 =	vadd.f32 v60, v3  }
0xc1: {  	v63 =	vld [tilespmem:s16+$0xE40]  }
0xc2: {  	v3 =	vadd.f32 v61, v3;
	_ =	sdelay $0x1  }
0xc3: {  	v3 =	vadd.f32 v62, v3;
	_ =	sdelay $0x1  }
0xc4: {  	s2 =	sadd.s32 $0x1, s2;
	v3 =	vadd.f32 v63, v3  }
0xc5: {  	s15 =	sadd.s32 $0x10, s15;
	p0 =	sne.s32 s2, s6  }
.Ltmp4:
0xc6: {  	[tilespmem:s15+$0x0] =	vst v3;
	(pc) =	sbr.rel @p0 .LBB2_1-.Ltmp4, $4  }
0xc7: {  	[hbm4b:s5+s11] =	stream.strided.scatter [tilespmem:s13], [sflag:$0x3], $0x280, s12, s11, $0x38;
	[tilespmem:$0x12880] =	vst v63  }
0xc8: {  	_ =	swait.ge [sflag:s14], $0x280  }
0xc9: {  	[sflag:s14] =	ssyncset.done $0x0  }
0xca: {  	[sflag:s14] =	ssyncadd.s32 $0xFFFFFD80  }
0xcb: {  	_ =	sfence.sel $0x180000  }
0xcc: {  	[bflag:$0x0] =	sbarrier.arrive $0xFFFF  }
0xcd: {  	p0 =	sne.s32 s0, $0x0;
	_ =	strace $0x90000047  }
0xce: {  	s0 =	sadd.s32 @!p0 $0x100000, s1;
	[bflag:$0x2] =	sbarrier.arrive $0xFFFF  }
0xcf: {  	[sflag:s0] =	ssyncadd.tile.s32 @!p0 $0x1;
	_ =	shalt  }
.Lfunc_end2:
_tile_overlayer_lowered:
.L_overlay_start_2:
0xd0: {  	(tag) =	ssettag $0x2  }
0xd1: {  	s0 =	rddreg [dreg:$0x0];
	s2 =	stileid.u32  }
0xd2: {  	s1 =	rddreg [dreg:$0x1];
	p0 =	sne.s32 s2, $0x0  }
0xd3: {  	s3 =	rddreg [dreg:$0x2];
	[bflag:$0x3] =	sbarrier.arrive $0xFFFF;
	s2 =	simm.s32 @!p0 $0x1C03  }
0xd4: {  	[timem:s3], [sflag:s2] =	dma.local @!p0 [hbm:s0], s1  }
0xd5: {  	s0 =	simm.s32 @!p0 $0x3  }
0xd6: {  	_ =	swait.ge @!p0 [sflag:s0], s1  }
0xd7: {  	s1 =	ssub.s32 @!p0 $0x0, s1;
	[sflag:s0] =	ssyncset.done @!p0 $0x0  }
0xd8: {  	[sflag:s0] =	ssyncadd.s32 @!p0 s1  }
0xd9: {  	[bflag:$0x3] =	sbarrier.arrive $0xFFFF  }
0xda: {  	_ =	shalt  }

</sc_bundles>
